<compile_context>
chip_gen: v7x
topology: tpu7x:2x2x1
jax: 0.10.2.dev20260603
libtpu: 0.0.44.dev20260713+nightly
codegen_flags: <defaults>
</compile_context>

<pallas_src>
import functools

import jax
import jax.numpy as jnp
from jax import lax
from jax.experimental import pallas as pl
from jax.experimental.pallas import tpu as pltpu
from jax.experimental.pallas import tpu_sc as plsc

NUM_ROWS = 100000
DIM = 32
KH = 4
HASH_C = 73244475
C0 = HASH_C & 0xFFFF
C1 = HASH_C >> 16

MAGIC = (1 << 47) // 100000 + 1
MG0 = MAGIC & 0xFFFF
MG1 = MAGIC >> 16

NC = 2
NS = 16
NW = NC * NS

N_TOK = 16384 * 26
TOK_W = N_TOK // NW
BLK = 128
NBLK = TOK_W // BLK

HROWS = N_TOK // 128
HBLK = 128
HGRID = HROWS // HBLK

WBLK = 4000
WGRID = NUM_ROWS // WBLK


def _i32(x):
    return jnp.int32(x)


def _lsr16(x):
    return lax.shift_right_logical(x, _i32(16))


def _mul_c(hi, lo):
    a0 = lax.bitwise_and(lo, _i32(0xFFFF))
    a1 = _lsr16(lo)
    p00 = a0 * _i32(C0)
    p01 = a0 * _i32(C1)
    p10 = a1 * _i32(C0)
    p11 = a1 * _i32(C1)
    mid = p10 + _lsr16(p00)
    mid2 = p01 + lax.bitwise_and(mid, _i32(0xFFFF))
    lo_out = lax.bitwise_or(lax.shift_left(mid2, _i32(16)),
                            lax.bitwise_and(p00, _i32(0xFFFF)))
    high = p11 + _lsr16(mid) + _lsr16(mid2)
    hi_out = hi * _i32(HASH_C) + high
    return hi_out, lo_out


def _shr16(hi, lo):
    new_lo = lax.bitwise_or(_lsr16(lo), lax.shift_left(hi, _i32(16)))
    return lax.shift_right_arithmetic(hi, _i32(16)), new_lo


def _mulhi31(x, m0, m1):
    a0 = lax.bitwise_and(x, _i32(0xFFFF))
    a1 = _lsr16(x)
    p00 = a0 * _i32(m0)
    p01 = a0 * _i32(m1)
    p10 = a1 * _i32(m0)
    p11 = a1 * _i32(m1)
    mid = p10 + _lsr16(p00)
    mid2 = p01 + lax.bitwise_and(mid, _i32(0xFFFF))
    return p11 + _lsr16(mid) + _lsr16(mid2)


def _mod100k(x):
    q = lax.shift_right_logical(_mulhi31(x, MG0, MG1), _i32(15))
    return x - q * _i32(100000)


def _hash_idx(lo0):
    a = lax.bitwise_xor(_lsr16(lo0), lo0)
    zero = jnp.zeros_like(lo0)
    hi, lo = _mul_c(zero, a)
    sh, sl = _shr16(hi, lo)
    hi, lo = _mul_c(lax.bitwise_xor(sh, hi), lax.bitwise_xor(sl, lo))
    sh, sl = _shr16(hi, lo)
    hi = lax.bitwise_xor(sh, hi)
    lo = lax.bitwise_xor(sl, lo)
    hi_pos = lax.bitwise_and(hi, _i32(0x7FFFFFFF))
    lo_pos = lax.bitwise_and(lo, _i32(0x7FFFFFFF))
    h0 = lax.bitwise_and(hi_pos, _i32(0xFFFF))
    h1 = _lsr16(hi_pos)
    d = _mod100k(h0 * _i32(2103))
    s = (d * _i32(32) + h1 * _i32(10656) + _mod100k(lo_pos)
         + jnp.where(lo < 0, _i32(83648), _i32(0))
         + jnp.where(hi < 0, _i32(75808), _i32(0)))
    return _mod100k(s)


def _tc_hash_body(t_ref, idx_ref):
    x = t_ref[...]
    for r in range(KH):
        idx_ref[r] = _hash_idx(x + _i32(r))


_tc_hash = pl.pallas_call(
    _tc_hash_body,
    grid=(HGRID,),
    in_specs=[pl.BlockSpec((HBLK, 128), lambda i: (i, _i32(0)))],
    out_specs=pl.BlockSpec((KH, HBLK, 128),
                          lambda i: (_i32(0), i, _i32(0))),
    out_shape=jax.ShapeDtypeStruct((KH, HROWS, 128), jnp.int32),
)


@functools.partial(
    pl.kernel,
    mesh=plsc.VectorSubcoreMesh(core_axis_name="c", subcore_axis_name="s"),
    out_type=jax.ShapeDtypeStruct((N_TOK, DIM), jnp.float32),
    compiler_params=pltpu.CompilerParams(use_tc_tiling_on_sc=False,
                                         needs_layout_passes=False),
    scratch_types=[
        pltpu.VMEM((KH, TOK_W), jnp.int32),
        pltpu.VMEM((2, KH, BLK, DIM // 2), jnp.int32),
        pltpu.VMEM((2, BLK, DIM), jnp.float32),
        pltpu.SemaphoreType.DMA,
        pltpu.SemaphoreType.DMA,
    ],
)
def _sc_embed(idx_hbm, wb_hbm, out_hbm, idx_v, gbuf, acc, gsem, osem):
    wid = lax.axis_index("s") * NC + lax.axis_index("c")
    base = wid * TOK_W

    for r in range(KH):
        pltpu.sync_copy(idx_hbm.at[_i32(r), pl.ds(base, TOK_W)],
                        idx_v.at[_i32(r)])

    def gathers(b, slot):
        for r in range(KH):
            pltpu.async_copy(
                wb_hbm.at[idx_v.at[_i32(r), pl.ds(b * BLK, BLK)]],
                gbuf.at[slot, _i32(r)], gsem)

    def wait_gathers(b, slot):
        for r in range(KH):
            pltpu.make_async_copy(
                wb_hbm.at[idx_v.at[_i32(r), pl.ds(b * BLK, BLK)]],
                gbuf.at[slot, _i32(r)], gsem).wait()

    def out_copy(b, slot):
        pltpu.async_copy(
            acc.at[slot], out_hbm.at[pl.ds(base + b * BLK, BLK)], osem)

    def wait_out_copy(b, slot):
        pltpu.make_async_copy(
            acc.at[slot], out_hbm.at[pl.ds(base + b * BLK, BLK)],
            osem).wait()

    gathers(_i32(0), _i32(0))

    def block_body(b, _):
        slot = lax.bitwise_and(b, _i32(1))
        nslot = lax.bitwise_xor(slot, _i32(1))
        wait_gathers(b, slot)

        @pl.when(b + 1 < NBLK)
        def _():
            gathers(b + 1, nslot)

        @pl.when(b >= 2)
        def _():
            wait_out_copy(b - 2, slot)

        @plsc.parallel_loop(_i32(0), _i32(BLK), step=_i32(1), unroll=8)
        def reduce_body(i):
            e = None
            o = None
            for r in range(KH):
                p = gbuf[slot, _i32(r), i]
                ev = plsc.bitcast(lax.shift_left(p, _i32(16)), jnp.float32)
                ov = plsc.bitcast(lax.bitwise_and(p, _i32(-65536)),
                                  jnp.float32)
                e = ev if e is None else e + ev
                o = ov if o is None else o + ov
            acc[slot, i, pl.ds(0, 16)] = e * 0.25
            acc[slot, i, pl.ds(16, 16)] = o * 0.25

        out_copy(b, slot)
        return 0

    lax.fori_loop(_i32(0), _i32(NBLK), block_body, 0)
    wait_out_copy(_i32(NBLK - 2), _i32(0))
    wait_out_copy(_i32(NBLK - 1), _i32(1))


@jax.jit
def kernel(t, W):
    t32 = t.reshape(-1).astype(jnp.int32).reshape(HROWS, 128)
    idx = _tc_hash(t32)
    wb16 = W.astype(jnp.bfloat16).reshape(NUM_ROWS, 2, DIM // 2)
    wb16 = wb16.transpose(0, 2, 1)
    wpacked = lax.bitcast_convert_type(wb16, jnp.int32)
    out = _sc_embed(idx.reshape(KH, N_TOK), wpacked)
    return out.reshape(t.shape + (DIM,))

# --- scband reference (transcript-rebuilt; emitter-appended) ---
"""Pipeline reference for scband-bloom-embed-24318104830309 (READ-ONLY COPY).

The authoritative reference and input builder live on the scoring server;
editing this copy changes nothing except your own understanding.
"""

import jax, jax.numpy as jnp
import numpy as np

jax.config.update("jax_enable_x64", True)

NUM = 100000
DIM = 32
K = 4


def mueller_hash(t):
    t = ((t >> 16) ^ t) * 73244475
    t = ((t >> 16) ^ t) * 73244475
    t = (t >> 16) ^ t
    return t


def setup_inputs(seed: int = 0) -> dict:
    key = jax.random.key(seed)
    k_t, k_w = jax.random.split(key)
    t = jax.random.randint(k_t, (16384, 26), 0, 1000000, dtype=jnp.int64)
    # nn.Linear(dim, num).weight has shape [num, dim]
    W = jax.random.normal(k_w, (NUM, DIM), dtype=jnp.float32) * 0.02
    return {"t": t, "W": W}


def reference(t, W):
    out = jnp.zeros(t.shape + (DIM,), dtype=W.dtype)
    for r in range(K):
        idx = jnp.mod(mueller_hash(t + r), NUM)
        out = out + jnp.take(W, idx, axis=0) / K
    return out

if __name__ == "__main__":
    import jax
    _d = setup_inputs()
    print(jax.jit(kernel)(*tuple(_d.values())))

</pallas_src>

<mosaic_0001>
#map = affine_map<(d0, d1) -> (0, 0)>
module attributes {stable_mosaic.version = 14 : i64} {
  func.func @_sc_embed(%arg0: i32, %arg1: i32, %arg2: memref<4x425984xi32, #tpu.memory_space<hbm>>, %arg3: memref<100000x16xi32, #tpu.memory_space<hbm>>, %arg4: memref<425984x32xf32, #tpu.memory_space<hbm>>, %arg5: memref<4x13312xi32, #tpu.memory_space<vmem>>, %arg6: memref<2x4x128x16xi32, #tpu.memory_space<vmem>>, %arg7: memref<2x128x32xf32, #tpu.memory_space<vmem>>, %arg8: memref<!tpu.dma_semaphore, #tpu.memory_space<semaphore_mem>>, %arg9: memref<!tpu.dma_semaphore, #tpu.memory_space<semaphore_mem>>) attributes {dimension_semantics = [#tpu.dimension_semantics<core_parallel>, #tpu.dimension_semantics<subcore_parallel>], iteration_bounds = array<i64: 2, 16>, scalar_prefetch = 0 : i64, scratch_operands = 5 : i64, tpu.core_type = #tpu.core_type<sc_vector_subcore>, window_params = [{transform_indices = #map}, {transform_indices = #map}, {transform_indices = #map}]} {
    %mul3A = arith.constant 2 : i32
    %mul3A_0 = arith.muli %arg1, %mul3A : i32
    %add3A = arith.addi %mul3A_0, %arg0 : i32
    %mul3A_1 = arith.constant 13312 : i32
    %mul3A_2 = arith.muli %add3A, %mul3A_1 : i32
    %run_scoped3A = arith.constant 0 : i32
    %run_scoped3A_3 = arith.constant 0 : i32
    "tpu.region"() ({
      %run_scoped3A_114 = tpu.sem_alloc : memref<!tpu.dma_semaphore, #tpu.memory_space<semaphore_mem>>
      %dma_start3A_115 = arith.constant 0 : i32
      %dma_start3A_116 = tpu.memref_slice %arg5[%run_scoped3A_3, %dma_start3A_115] : memref<4x13312xi32, #tpu.memory_space<vmem>> -> memref<1x13312xi32, #tpu.memory_space<vmem>>
      %dma_start3A_117 = tpu.memref_squeeze %dma_start3A_116 : memref<1x13312xi32, #tpu.memory_space<vmem>> -> memref<13312xi32, #tpu.memory_space<vmem>>
      %dma_start3A_118 = tpu.memref_slice %arg2[%run_scoped3A, %mul3A_2] : memref<4x425984xi32, #tpu.memory_space<hbm>> -> memref<1x13312xi32, #tpu.memory_space<hbm>>
      %dma_start3A_119 = tpu.memref_squeeze %dma_start3A_118 : memref<1x13312xi32, #tpu.memory_space<hbm>> -> memref<13312xi32, #tpu.memory_space<hbm>>
      %dma_start3A_120 = arith.constant 0 : i32
      %dma_start3A_121 = tpu.memref_slice %arg5[%run_scoped3A_3, %dma_start3A_120] : memref<4x13312xi32, #tpu.memory_space<vmem>> -> memref<1x13312xi32, #tpu.memory_space<vmem>>
      %dma_start3A_122 = tpu.memref_squeeze %dma_start3A_121 : memref<1x13312xi32, #tpu.memory_space<vmem>> -> memref<13312xi32, #tpu.memory_space<vmem>>
      %dma_start3A_123 = tpu.memref_slice %arg2[%run_scoped3A, %mul3A_2] : memref<4x425984xi32, #tpu.memory_space<hbm>> -> memref<1x13312xi32, #tpu.memory_space<hbm>>
      %dma_start3A_124 = tpu.memref_squeeze %dma_start3A_123 : memref<1x13312xi32, #tpu.memory_space<hbm>> -> memref<13312xi32, #tpu.memory_space<hbm>>
      tpu.enqueue_dma source(%dma_start3A_124 : memref<13312xi32, #tpu.memory_space<hbm>>) target(%dma_start3A_122 : memref<13312xi32, #tpu.memory_space<vmem>>) target_semaphore(%run_scoped3A_114 : memref<!tpu.dma_semaphore, #tpu.memory_space<semaphore_mem>>)
      %dma_wait3A_125 = arith.constant 0 : i32
      %dma_wait3A_126 = tpu.memref_slice %arg5[%run_scoped3A_3, %dma_wait3A_125] : memref<4x13312xi32, #tpu.memory_space<vmem>> -> memref<1x13312xi32, #tpu.memory_space<vmem>>
      %dma_wait3A_127 = tpu.memref_squeeze %dma_wait3A_126 : memref<1x13312xi32, #tpu.memory_space<vmem>> -> memref<13312xi32, #tpu.memory_space<vmem>>
      %dma_wait3A_128 = tpu.memref_slice %arg2[%run_scoped3A, %mul3A_2] : memref<4x425984xi32, #tpu.memory_space<hbm>> -> memref<1x13312xi32, #tpu.memory_space<hbm>>
      %dma_wait3A_129 = tpu.memref_squeeze %dma_wait3A_128 : memref<1x13312xi32, #tpu.memory_space<hbm>> -> memref<13312xi32, #tpu.memory_space<hbm>>
      %dma_wait3A_130 = arith.constant 0 : i32
      %dma_wait3A_131 = tpu.memref_slice %arg5[%run_scoped3A_3, %dma_wait3A_130] : memref<4x13312xi32, #tpu.memory_space<vmem>> -> memref<1x13312xi32, #tpu.memory_space<vmem>>
      %dma_wait3A_132 = tpu.memref_squeeze %dma_wait3A_131 : memref<1x13312xi32, #tpu.memory_space<vmem>> -> memref<13312xi32, #tpu.memory_space<vmem>>
      %dma_wait3A_133 = tpu.memref_slice %arg2[%run_scoped3A, %mul3A_2] : memref<4x425984xi32, #tpu.memory_space<hbm>> -> memref<1x13312xi32, #tpu.memory_space<hbm>>
      %dma_wait3A_134 = tpu.memref_squeeze %dma_wait3A_133 : memref<1x13312xi32, #tpu.memory_space<hbm>> -> memref<13312xi32, #tpu.memory_space<hbm>>
      tpu.wait_dma2 semaphore(%run_scoped3A_114 : memref<!tpu.dma_semaphore, #tpu.memory_space<semaphore_mem>>) src(%dma_wait3A_134 : memref<13312xi32, #tpu.memory_space<hbm>>) dst(%dma_wait3A_132 : memref<13312xi32, #tpu.memory_space<vmem>>)
      tpu.yield
    }) : () -> ()
    %run_scoped3A_4 = arith.constant 1 : i32
    %run_scoped3A_5 = arith.constant 1 : i32
    "tpu.region"() ({
      %run_scoped3A_114 = tpu.sem_alloc : memref<!tpu.dma_semaphore, #tpu.memory_space<semaphore_mem>>
      %dma_start3A_115 = arith.constant 0 : i32
      %dma_start3A_116 = tpu.memref_slice %arg5[%run_scoped3A_5, %dma_start3A_115] : memref<4x13312xi32, #tpu.memory_space<vmem>> -> memref<1x13312xi32, #tpu.memory_space<vmem>>
      %dma_start3A_117 = tpu.memref_squeeze %dma_start3A_116 : memref<1x13312xi32, #tpu.memory_space<vmem>> -> memref<13312xi32, #tpu.memory_space<vmem>>
      %dma_start3A_118 = tpu.memref_slice %arg2[%run_scoped3A_4, %mul3A_2] : memref<4x425984xi32, #tpu.memory_space<hbm>> -> memref<1x13312xi32, #tpu.memory_space<hbm>>
      %dma_start3A_119 = tpu.memref_squeeze %dma_start3A_118 : memref<1x13312xi32, #tpu.memory_space<hbm>> -> memref<13312xi32, #tpu.memory_space<hbm>>
      %dma_start3A_120 = arith.constant 0 : i32
      %dma_start3A_121 = tpu.memref_slice %arg5[%run_scoped3A_5, %dma_start3A_120] : memref<4x13312xi32, #tpu.memory_space<vmem>> -> memref<1x13312xi32, #tpu.memory_space<vmem>>
      %dma_start3A_122 = tpu.memref_squeeze %dma_start3A_121 : memref<1x13312xi32, #tpu.memory_space<vmem>> -> memref<13312xi32, #tpu.memory_space<vmem>>
      %dma_start3A_123 = tpu.memref_slice %arg2[%run_scoped3A_4, %mul3A_2] : memref<4x425984xi32, #tpu.memory_space<hbm>> -> memref<1x13312xi32, #tpu.memory_space<hbm>>
      %dma_start3A_124 = tpu.memref_squeeze %dma_start3A_123 : memref<1x13312xi32, #tpu.memory_space<hbm>> -> memref<13312xi32, #tpu.memory_space<hbm>>
      tpu.enqueue_dma source(%dma_start3A_124 : memref<13312xi32, #tpu.memory_space<hbm>>) target(%dma_start3A_122 : memref<13312xi32, #tpu.memory_space<vmem>>) target_semaphore(%run_scoped3A_114 : memref<!tpu.dma_semaphore, #tpu.memory_space<semaphore_mem>>)
      %dma_wait3A_125 = arith.constant 0 : i32
      %dma_wait3A_126 = tpu.memref_slice %arg5[%run_scoped3A_5, %dma_wait3A_125] : memref<4x13312xi32, #tpu.memory_space<vmem>> -> memref<1x13312xi32, #tpu.memory_space<vmem>>
      %dma_wait3A_127 = tpu.memref_squeeze %dma_wait3A_126 : memref<1x13312xi32, #tpu.memory_space<vmem>> -> memref<13312xi32, #tpu.memory_space<vmem>>
      %dma_wait3A_128 = tpu.memref_slice %arg2[%run_scoped3A_4, %mul3A_2] : memref<4x425984xi32, #tpu.memory_space<hbm>> -> memref<1x13312xi32, #tpu.memory_space<hbm>>
      %dma_wait3A_129 = tpu.memref_squeeze %dma_wait3A_128 : memref<1x13312xi32, #tpu.memory_space<hbm>> -> memref<13312xi32, #tpu.memory_space<hbm>>
      %dma_wait3A_130 = arith.constant 0 : i32
      %dma_wait3A_131 = tpu.memref_slice %arg5[%run_scoped3A_5, %dma_wait3A_130] : memref<4x13312xi32, #tpu.memory_space<vmem>> -> memref<1x13312xi32, #tpu.memory_space<vmem>>
      %dma_wait3A_132 = tpu.memref_squeeze %dma_wait3A_131 : memref<1x13312xi32, #tpu.memory_space<vmem>> -> memref<13312xi32, #tpu.memory_space<vmem>>
      %dma_wait3A_133 = tpu.memref_slice %arg2[%run_scoped3A_4, %mul3A_2] : memref<4x425984xi32, #tpu.memory_space<hbm>> -> memref<1x13312xi32, #tpu.memory_space<hbm>>
      %dma_wait3A_134 = tpu.memref_squeeze %dma_wait3A_133 : memref<1x13312xi32, #tpu.memory_space<hbm>> -> memref<13312xi32, #tpu.memory_space<hbm>>
      tpu.wait_dma2 semaphore(%run_scoped3A_114 : memref<!tpu.dma_semaphore, #tpu.memory_space<semaphore_mem>>) src(%dma_wait3A_134 : memref<13312xi32, #tpu.memory_space<hbm>>) dst(%dma_wait3A_132 : memref<13312xi32, #tpu.memory_space<vmem>>)
      tpu.yield
    }) : () -> ()
    %run_scoped3A_6 = arith.constant 2 : i32
    %run_scoped3A_7 = arith.constant 2 : i32
    "tpu.region"() ({
      %run_scoped3A_114 = tpu.sem_alloc : memref<!tpu.dma_semaphore, #tpu.memory_space<semaphore_mem>>
      %dma_start3A_115 = arith.constant 0 : i32
      %dma_start3A_116 = tpu.memref_slice %arg5[%run_scoped3A_7, %dma_start3A_115] : memref<4x13312xi32, #tpu.memory_space<vmem>> -> memref<1x13312xi32, #tpu.memory_space<vmem>>
      %dma_start3A_117 = tpu.memref_squeeze %dma_start3A_116 : memref<1x13312xi32, #tpu.memory_space<vmem>> -> memref<13312xi32, #tpu.memory_space<vmem>>
      %dma_start3A_118 = tpu.memref_slice %arg2[%run_scoped3A_6, %mul3A_2] : memref<4x425984xi32, #tpu.memory_space<hbm>> -> memref<1x13312xi32, #tpu.memory_space<hbm>>
      %dma_start3A_119 = tpu.memref_squeeze %dma_start3A_118 : memref<1x13312xi32, #tpu.memory_space<hbm>> -> memref<13312xi32, #tpu.memory_space<hbm>>
      %dma_start3A_120 = arith.constant 0 : i32
      %dma_start3A_121 = tpu.memref_slice %arg5[%run_scoped3A_7, %dma_start3A_120] : memref<4x13312xi32, #tpu.memory_space<vmem>> -> memref<1x13312xi32, #tpu.memory_space<vmem>>
      %dma_start3A_122 = tpu.memref_squeeze %dma_start3A_121 : memref<1x13312xi32, #tpu.memory_space<vmem>> -> memref<13312xi32, #tpu.memory_space<vmem>>
      %dma_start3A_123 = tpu.memref_slice %arg2[%run_scoped3A_6, %mul3A_2] : memref<4x425984xi32, #tpu.memory_space<hbm>> -> memref<1x13312xi32, #tpu.memory_space<hbm>>
      %dma_start3A_124 = tpu.memref_squeeze %dma_start3A_123 : memref<1x13312xi32, #tpu.memory_space<hbm>> -> memref<13312xi32, #tpu.memory_space<hbm>>
      tpu.enqueue_dma source(%dma_start3A_124 : memref<13312xi32, #tpu.memory_space<hbm>>) target(%dma_start3A_122 : memref<13312xi32, #tpu.memory_space<vmem>>) target_semaphore(%run_scoped3A_114 : memref<!tpu.dma_semaphore, #tpu.memory_space<semaphore_mem>>)
      %dma_wait3A_125 = arith.constant 0 : i32
      %dma_wait3A_126 = tpu.memref_slice %arg5[%run_scoped3A_7, %dma_wait3A_125] : memref<4x13312xi32, #tpu.memory_space<vmem>> -> memref<1x13312xi32, #tpu.memory_space<vmem>>
      %dma_wait3A_127 = tpu.memref_squeeze %dma_wait3A_126 : memref<1x13312xi32, #tpu.memory_space<vmem>> -> memref<13312xi32, #tpu.memory_space<vmem>>
      %dma_wait3A_128 = tpu.memref_slice %arg2[%run_scoped3A_6, %mul3A_2] : memref<4x425984xi32, #tpu.memory_space<hbm>> -> memref<1x13312xi32, #tpu.memory_space<hbm>>
      %dma_wait3A_129 = tpu.memref_squeeze %dma_wait3A_128 : memref<1x13312xi32, #tpu.memory_space<hbm>> -> memref<13312xi32, #tpu.memory_space<hbm>>
      %dma_wait3A_130 = arith.constant 0 : i32
      %dma_wait3A_131 = tpu.memref_slice %arg5[%run_scoped3A_7, %dma_wait3A_130] : memref<4x13312xi32, #tpu.memory_space<vmem>> -> memref<1x13312xi32, #tpu.memory_space<vmem>>
      %dma_wait3A_132 = tpu.memref_squeeze %dma_wait3A_131 : memref<1x13312xi32, #tpu.memory_space<vmem>> -> memref<13312xi32, #tpu.memory_space<vmem>>
      %dma_wait3A_133 = tpu.memref_slice %arg2[%run_scoped3A_6, %mul3A_2] : memref<4x425984xi32, #tpu.memory_space<hbm>> -> memref<1x13312xi32, #tpu.memory_space<hbm>>
      %dma_wait3A_134 = tpu.memref_squeeze %dma_wait3A_133 : memref<1x13312xi32, #tpu.memory_space<hbm>> -> memref<13312xi32, #tpu.memory_space<hbm>>
      tpu.wait_dma2 semaphore(%run_scoped3A_114 : memref<!tpu.dma_semaphore, #tpu.memory_space<semaphore_mem>>) src(%dma_wait3A_134 : memref<13312xi32, #tpu.memory_space<hbm>>) dst(%dma_wait3A_132 : memref<13312xi32, #tpu.memory_space<vmem>>)
      tpu.yield
    }) : () -> ()
    %run_scoped3A_8 = arith.constant 3 : i32
    %run_scoped3A_9 = arith.constant 3 : i32
    "tpu.region"() ({
      %run_scoped3A_114 = tpu.sem_alloc : memref<!tpu.dma_semaphore, #tpu.memory_space<semaphore_mem>>
      %dma_start3A_115 = arith.constant 0 : i32
      %dma_start3A_116 = tpu.memref_slice %arg5[%run_scoped3A_9, %dma_start3A_115] : memref<4x13312xi32, #tpu.memory_space<vmem>> -> memref<1x13312xi32, #tpu.memory_space<vmem>>
      %dma_start3A_117 = tpu.memref_squeeze %dma_start3A_116 : memref<1x13312xi32, #tpu.memory_space<vmem>> -> memref<13312xi32, #tpu.memory_space<vmem>>
      %dma_start3A_118 = tpu.memref_slice %arg2[%run_scoped3A_8, %mul3A_2] : memref<4x425984xi32, #tpu.memory_space<hbm>> -> memref<1x13312xi32, #tpu.memory_space<hbm>>
      %dma_start3A_119 = tpu.memref_squeeze %dma_start3A_118 : memref<1x13312xi32, #tpu.memory_space<hbm>> -> memref<13312xi32, #tpu.memory_space<hbm>>
      %dma_start3A_120 = arith.constant 0 : i32
      %dma_start3A_121 = tpu.memref_slice %arg5[%run_scoped3A_9, %dma_start3A_120] : memref<4x13312xi32, #tpu.memory_space<vmem>> -> memref<1x13312xi32, #tpu.memory_space<vmem>>
      %dma_start3A_122 = tpu.memref_squeeze %dma_start3A_121 : memref<1x13312xi32, #tpu.memory_space<vmem>> -> memref<13312xi32, #tpu.memory_space<vmem>>
      %dma_start3A_123 = tpu.memref_slice %arg2[%run_scoped3A_8, %mul3A_2] : memref<4x425984xi32, #tpu.memory_space<hbm>> -> memref<1x13312xi32, #tpu.memory_space<hbm>>
      %dma_start3A_124 = tpu.memref_squeeze %dma_start3A_123 : memref<1x13312xi32, #tpu.memory_space<hbm>> -> memref<13312xi32, #tpu.memory_space<hbm>>
      tpu.enqueue_dma source(%dma_start3A_124 : memref<13312xi32, #tpu.memory_space<hbm>>) target(%dma_start3A_122 : memref<13312xi32, #tpu.memory_space<vmem>>) target_semaphore(%run_scoped3A_114 : memref<!tpu.dma_semaphore, #tpu.memory_space<semaphore_mem>>)
      %dma_wait3A_125 = arith.constant 0 : i32
      %dma_wait3A_126 = tpu.memref_slice %arg5[%run_scoped3A_9, %dma_wait3A_125] : memref<4x13312xi32, #tpu.memory_space<vmem>> -> memref<1x13312xi32, #tpu.memory_space<vmem>>
      %dma_wait3A_127 = tpu.memref_squeeze %dma_wait3A_126 : memref<1x13312xi32, #tpu.memory_space<vmem>> -> memref<13312xi32, #tpu.memory_space<vmem>>
      %dma_wait3A_128 = tpu.memref_slice %arg2[%run_scoped3A_8, %mul3A_2] : memref<4x425984xi32, #tpu.memory_space<hbm>> -> memref<1x13312xi32, #tpu.memory_space<hbm>>
      %dma_wait3A_129 = tpu.memref_squeeze %dma_wait3A_128 : memref<1x13312xi32, #tpu.memory_space<hbm>> -> memref<13312xi32, #tpu.memory_space<hbm>>
      %dma_wait3A_130 = arith.constant 0 : i32
      %dma_wait3A_131 = tpu.memref_slice %arg5[%run_scoped3A_9, %dma_wait3A_130] : memref<4x13312xi32, #tpu.memory_space<vmem>> -> memref<1x13312xi32, #tpu.memory_space<vmem>>
      %dma_wait3A_132 = tpu.memref_squeeze %dma_wait3A_131 : memref<1x13312xi32, #tpu.memory_space<vmem>> -> memref<13312xi32, #tpu.memory_space<vmem>>
      %dma_wait3A_133 = tpu.memref_slice %arg2[%run_scoped3A_8, %mul3A_2] : memref<4x425984xi32, #tpu.memory_space<hbm>> -> memref<1x13312xi32, #tpu.memory_space<hbm>>
      %dma_wait3A_134 = tpu.memref_squeeze %dma_wait3A_133 : memref<1x13312xi32, #tpu.memory_space<hbm>> -> memref<13312xi32, #tpu.memory_space<hbm>>
      tpu.wait_dma2 semaphore(%run_scoped3A_114 : memref<!tpu.dma_semaphore, #tpu.memory_space<semaphore_mem>>) src(%dma_wait3A_134 : memref<13312xi32, #tpu.memory_space<hbm>>) dst(%dma_wait3A_132 : memref<13312xi32, #tpu.memory_space<vmem>>)
      tpu.yield
    }) : () -> ()
    %mul3A_10 = arith.constant 0 : i32
    %mul3A_11 = arith.constant 128 : i32
    %mul3A_12 = arith.muli %mul3A_10, %mul3A_11 : i32
    %dma_start3A = arith.constant 0 : i32
    %dma_start3A_13 = arith.constant 0 : i32
    %dma_start3A_14 = arith.constant 0 : i32
    %dma_start3A_15 = arith.constant 0 : i32
    %dma_start3A_16 = arith.constant 0 : i32
    %dma_start3A_17 = tpu.memref_slice %arg6[%dma_start3A_13, %dma_start3A_14, %dma_start3A_15, %dma_start3A_16] : memref<2x4x128x16xi32, #tpu.memory_space<vmem>> -> memref<1x1x128x16xi32, #tpu.memory_space<vmem>>
    %dma_start3A_18 = tpu.memref_squeeze %dma_start3A_17 : memref<1x1x128x16xi32, #tpu.memory_space<vmem>> -> memref<128x16xi32, #tpu.memory_space<vmem>>
    %dma_start3A_19 = tpu.memref_slice %arg5[%dma_start3A, %mul3A_12] : memref<4x13312xi32, #tpu.memory_space<vmem>> -> memref<1x128xi32, #tpu.memory_space<vmem>>
    %dma_start3A_20 = tpu.memref_squeeze %dma_start3A_19 : memref<1x128xi32, #tpu.memory_space<vmem>> -> memref<128xi32, #tpu.memory_space<vmem>>
    %dma_start3A_21 = arith.constant 0 : i32
    %dma_start3A_22 = arith.constant 0 : i32
    %dma_start3A_23 = tpu.memref_slice %arg3[%dma_start3A_21, %dma_start3A_22] : memref<100000x16xi32, #tpu.memory_space<hbm>> -> memref<100000x16xi32, #tpu.memory_space<hbm>>
    tpu.enqueue_indirect_dma source(%dma_start3A_23 : memref<100000x16xi32, #tpu.memory_space<hbm>>) target(%dma_start3A_18 : memref<128x16xi32, #tpu.memory_space<vmem>>) offsets(%dma_start3A_20 : memref<128xi32, #tpu.memory_space<vmem>>) semaphore(%arg8 : memref<!tpu.dma_semaphore, #tpu.memory_space<semaphore_mem>>)
    %mul3A_24 = arith.constant 0 : i32
    %mul3A_25 = arith.constant 128 : i32
    %mul3A_26 = arith.muli %mul3A_24, %mul3A_25 : i32
    %dma_start3A_27 = arith.constant 1 : i32
    %dma_start3A_28 = arith.constant 0 : i32
    %dma_start3A_29 = arith.constant 1 : i32
    %dma_start3A_30 = arith.constant 0 : i32
    %dma_start3A_31 = arith.constant 0 : i32
    %dma_start3A_32 = tpu.memref_slice %arg6[%dma_start3A_28, %dma_start3A_29, %dma_start3A_30, %dma_start3A_31] : memref<2x4x128x16xi32, #tpu.memory_space<vmem>> -> memref<1x1x128x16xi32, #tpu.memory_space<vmem>>
    %dma_start3A_33 = tpu.memref_squeeze %dma_start3A_32 : memref<1x1x128x16xi32, #tpu.memory_space<vmem>> -> memref<128x16xi32, #tpu.memory_space<vmem>>
    %dma_start3A_34 = tpu.memref_slice %arg5[%dma_start3A_27, %mul3A_26] : memref<4x13312xi32, #tpu.memory_space<vmem>> -> memref<1x128xi32, #tpu.memory_space<vmem>>
    %dma_start3A_35 = tpu.memref_squeeze %dma_start3A_34 : memref<1x128xi32, #tpu.memory_space<vmem>> -> memref<128xi32, #tpu.memory_space<vmem>>
    %dma_start3A_36 = arith.constant 0 : i32
    %dma_start3A_37 = arith.constant 0 : i32
    %dma_start3A_38 = tpu.memref_slice %arg3[%dma_start3A_36, %dma_start3A_37] : memref<100000x16xi32, #tpu.memory_space<hbm>> -> memref<100000x16xi32, #tpu.memory_space<hbm>>
    tpu.enqueue_indirect_dma source(%dma_start3A_38 : memref<100000x16xi32, #tpu.memory_space<hbm>>) target(%dma_start3A_33 : memref<128x16xi32, #tpu.memory_space<vmem>>) offsets(%dma_start3A_35 : memref<128xi32, #tpu.memory_space<vmem>>) semaphore(%arg8 : memref<!tpu.dma_semaphore, #tpu.memory_space<semaphore_mem>>)
    %mul3A_39 = arith.constant 0 : i32
    %mul3A_40 = arith.constant 128 : i32
    %mul3A_41 = arith.muli %mul3A_39, %mul3A_40 : i32
    %dma_start3A_42 = arith.constant 2 : i32
    %dma_start3A_43 = arith.constant 0 : i32
    %dma_start3A_44 = arith.constant 2 : i32
    %dma_start3A_45 = arith.constant 0 : i32
    %dma_start3A_46 = arith.constant 0 : i32
    %dma_start3A_47 = tpu.memref_slice %arg6[%dma_start3A_43, %dma_start3A_44, %dma_start3A_45, %dma_start3A_46] : memref<2x4x128x16xi32, #tpu.memory_space<vmem>> -> memref<1x1x128x16xi32, #tpu.memory_space<vmem>>
    %dma_start3A_48 = tpu.memref_squeeze %dma_start3A_47 : memref<1x1x128x16xi32, #tpu.memory_space<vmem>> -> memref<128x16xi32, #tpu.memory_space<vmem>>
    %dma_start3A_49 = tpu.memref_slice %arg5[%dma_start3A_42, %mul3A_41] : memref<4x13312xi32, #tpu.memory_space<vmem>> -> memref<1x128xi32, #tpu.memory_space<vmem>>
    %dma_start3A_50 = tpu.memref_squeeze %dma_start3A_49 : memref<1x128xi32, #tpu.memory_space<vmem>> -> memref<128xi32, #tpu.memory_space<vmem>>
    %dma_start3A_51 = arith.constant 0 : i32
    %dma_start3A_52 = arith.constant 0 : i32
    %dma_start3A_53 = tpu.memref_slice %arg3[%dma_start3A_51, %dma_start3A_52] : memref<100000x16xi32, #tpu.memory_space<hbm>> -> memref<100000x16xi32, #tpu.memory_space<hbm>>
    tpu.enqueue_indirect_dma source(%dma_start3A_53 : memref<100000x16xi32, #tpu.memory_space<hbm>>) target(%dma_start3A_48 : memref<128x16xi32, #tpu.memory_space<vmem>>) offsets(%dma_start3A_50 : memref<128xi32, #tpu.memory_space<vmem>>) semaphore(%arg8 : memref<!tpu.dma_semaphore, #tpu.memory_space<semaphore_mem>>)
    %mul3A_54 = arith.constant 0 : i32
    %mul3A_55 = arith.constant 128 : i32
    %mul3A_56 = arith.muli %mul3A_54, %mul3A_55 : i32
    %dma_start3A_57 = arith.constant 3 : i32
    %dma_start3A_58 = arith.constant 0 : i32
    %dma_start3A_59 = arith.constant 3 : i32
    %dma_start3A_60 = arith.constant 0 : i32
    %dma_start3A_61 = arith.constant 0 : i32
    %dma_start3A_62 = tpu.memref_slice %arg6[%dma_start3A_58, %dma_start3A_59, %dma_start3A_60, %dma_start3A_61] : memref<2x4x128x16xi32, #tpu.memory_space<vmem>> -> memref<1x1x128x16xi32, #tpu.memory_space<vmem>>
    %dma_start3A_63 = tpu.memref_squeeze %dma_start3A_62 : memref<1x1x128x16xi32, #tpu.memory_space<vmem>> -> memref<128x16xi32, #tpu.memory_space<vmem>>
    %dma_start3A_64 = tpu.memref_slice %arg5[%dma_start3A_57, %mul3A_56] : memref<4x13312xi32, #tpu.memory_space<vmem>> -> memref<1x128xi32, #tpu.memory_space<vmem>>
    %dma_start3A_65 = tpu.memref_squeeze %dma_start3A_64 : memref<1x128xi32, #tpu.memory_space<vmem>> -> memref<128xi32, #tpu.memory_space<vmem>>
    %dma_start3A_66 = arith.constant 0 : i32
    %dma_start3A_67 = arith.constant 0 : i32
    %dma_start3A_68 = tpu.memref_slice %arg3[%dma_start3A_66, %dma_start3A_67] : memref<100000x16xi32, #tpu.memory_space<hbm>> -> memref<100000x16xi32, #tpu.memory_space<hbm>>
    tpu.enqueue_indirect_dma source(%dma_start3A_68 : memref<100000x16xi32, #tpu.memory_space<hbm>>) target(%dma_start3A_63 : memref<128x16xi32, #tpu.memory_space<vmem>>) offsets(%dma_start3A_65 : memref<128xi32, #tpu.memory_space<vmem>>) semaphore(%arg8 : memref<!tpu.dma_semaphore, #tpu.memory_space<semaphore_mem>>)
    %while3A = arith.constant 0 : i32
    %while3A_69 = arith.constant 104 : i32
    %while3A_70 = arith.constant 0 : i64
    %while3A_71 = arith.subi %while3A_69, %while3A : i32
    %while3A_72 = arith.addi %while3A, %while3A_71 : i32
    %while3A_73 = arith.constant 1 : i32
    %while3A_74 = arith.divsi %while3A_71, %while3A_73 : i32
    %while3A_75 = arith.muli %while3A_74, %while3A_73 : i32
    %while3A_76 = arith.addi %while3A, %while3A_75 : i32
    %while3A_77 = arith.constant 1 : i32
    %while3A_78 = scf.for %while3A_114 = %while3A to %while3A_76 step %while3A_77 iter_args(%while3A_115 = %while3A_70) -> (i64)  : i32 {
      %and3A = arith.constant 1 : i32
      %and3A_116 = arith.andi %while3A_114, %and3A : i32
      %xor3A = arith.constant 1 : i32
      %xor3A_117 = arith.xori %and3A_116, %xor3A : i32
      %mul3A_118 = arith.constant 128 : i32
      %mul3A_119 = arith.muli %while3A_114, %mul3A_118 : i32
      %dma_wait3A_120 = arith.constant 0 : i32
      %dma_wait3A_121 = arith.constant 0 : i32
      %dma_wait3A_122 = arith.constant 0 : i32
      %dma_wait3A_123 = arith.constant 0 : i32
      %dma_wait3A_124 = tpu.memref_slice %arg6[%and3A_116, %dma_wait3A_121, %dma_wait3A_122, %dma_wait3A_123] : memref<2x4x128x16xi32, #tpu.memory_space<vmem>> -> memref<1x1x128x16xi32, #tpu.memory_space<vmem>>
      %dma_wait3A_125 = tpu.memref_squeeze %dma_wait3A_124 : memref<1x1x128x16xi32, #tpu.memory_space<vmem>> -> memref<128x16xi32, #tpu.memory_space<vmem>>
      %dma_wait3A_126 = tpu.memref_slice %arg5[%dma_wait3A_120, %mul3A_119] : memref<4x13312xi32, #tpu.memory_space<vmem>> -> memref<1x128xi32, #tpu.memory_space<vmem>>
      %dma_wait3A_127 = tpu.memref_squeeze %dma_wait3A_126 : memref<1x128xi32, #tpu.memory_space<vmem>> -> memref<128xi32, #tpu.memory_space<vmem>>
      %dma_wait3A_128 = arith.constant 0 : i32
      %dma_wait3A_129 = arith.constant 0 : i32
      %dma_wait3A_130 = tpu.memref_slice %arg3[%dma_wait3A_128, %dma_wait3A_129] : memref<100000x16xi32, #tpu.memory_space<hbm>> -> memref<100000x16xi32, #tpu.memory_space<hbm>>
      tpu.wait_indirect_dma semaphore(%arg8 : memref<!tpu.dma_semaphore, #tpu.memory_space<semaphore_mem>>) src(%dma_wait3A_130 : memref<100000x16xi32, #tpu.memory_space<hbm>>) dst(%dma_wait3A_125 : memref<128x16xi32, #tpu.memory_space<vmem>>)
      %mul3A_131 = arith.constant 128 : i32
      %mul3A_132 = arith.muli %while3A_114, %mul3A_131 : i32
      %dma_wait3A_133 = arith.constant 1 : i32
      %dma_wait3A_134 = arith.constant 1 : i32
      %dma_wait3A_135 = arith.constant 0 : i32
      %dma_wait3A_136 = arith.constant 0 : i32
      %dma_wait3A_137 = tpu.memref_slice %arg6[%and3A_116, %dma_wait3A_134, %dma_wait3A_135, %dma_wait3A_136] : memref<2x4x128x16xi32, #tpu.memory_space<vmem>> -> memref<1x1x128x16xi32, #tpu.memory_space<vmem>>
      %dma_wait3A_138 = tpu.memref_squeeze %dma_wait3A_137 : memref<1x1x128x16xi32, #tpu.memory_space<vmem>> -> memref<128x16xi32, #tpu.memory_space<vmem>>
      %dma_wait3A_139 = tpu.memref_slice %arg5[%dma_wait3A_133, %mul3A_132] : memref<4x13312xi32, #tpu.memory_space<vmem>> -> memref<1x128xi32, #tpu.memory_space<vmem>>
      %dma_wait3A_140 = tpu.memref_squeeze %dma_wait3A_139 : memref<1x128xi32, #tpu.memory_space<vmem>> -> memref<128xi32, #tpu.memory_space<vmem>>
      %dma_wait3A_141 = arith.constant 0 : i32
      %dma_wait3A_142 = arith.constant 0 : i32
      %dma_wait3A_143 = tpu.memref_slice %arg3[%dma_wait3A_141, %dma_wait3A_142] : memref<100000x16xi32, #tpu.memory_space<hbm>> -> memref<100000x16xi32, #tpu.memory_space<hbm>>
      tpu.wait_indirect_dma semaphore(%arg8 : memref<!tpu.dma_semaphore, #tpu.memory_space<semaphore_mem>>) src(%dma_wait3A_143 : memref<100000x16xi32, #tpu.memory_space<hbm>>) dst(%dma_wait3A_138 : memref<128x16xi32, #tpu.memory_space<vmem>>)
      %mul3A_144 = arith.constant 128 : i32
      %mul3A_145 = arith.muli %while3A_114, %mul3A_144 : i32
      %dma_wait3A_146 = arith.constant 2 : i32
      %dma_wait3A_147 = arith.constant 2 : i32
      %dma_wait3A_148 = arith.constant 0 : i32
      %dma_wait3A_149 = arith.constant 0 : i32
      %dma_wait3A_150 = tpu.memref_slice %arg6[%and3A_116, %dma_wait3A_147, %dma_wait3A_148, %dma_wait3A_149] : memref<2x4x128x16xi32, #tpu.memory_space<vmem>> -> memref<1x1x128x16xi32, #tpu.memory_space<vmem>>
      %dma_wait3A_151 = tpu.memref_squeeze %dma_wait3A_150 : memref<1x1x128x16xi32, #tpu.memory_space<vmem>> -> memref<128x16xi32, #tpu.memory_space<vmem>>
      %dma_wait3A_152 = tpu.memref_slice %arg5[%dma_wait3A_146, %mul3A_145] : memref<4x13312xi32, #tpu.memory_space<vmem>> -> memref<1x128xi32, #tpu.memory_space<vmem>>
      %dma_wait3A_153 = tpu.memref_squeeze %dma_wait3A_152 : memref<1x128xi32, #tpu.memory_space<vmem>> -> memref<128xi32, #tpu.memory_space<vmem>>
      %dma_wait3A_154 = arith.constant 0 : i32
      %dma_wait3A_155 = arith.constant 0 : i32
      %dma_wait3A_156 = tpu.memref_slice %arg3[%dma_wait3A_154, %dma_wait3A_155] : memref<100000x16xi32, #tpu.memory_space<hbm>> -> memref<100000x16xi32, #tpu.memory_space<hbm>>
      tpu.wait_indirect_dma semaphore(%arg8 : memref<!tpu.dma_semaphore, #tpu.memory_space<semaphore_mem>>) src(%dma_wait3A_156 : memref<100000x16xi32, #tpu.memory_space<hbm>>) dst(%dma_wait3A_151 : memref<128x16xi32, #tpu.memory_space<vmem>>)
      %mul3A_157 = arith.constant 128 : i32
      %mul3A_158 = arith.muli %while3A_114, %mul3A_157 : i32
      %dma_wait3A_159 = arith.constant 3 : i32
      %dma_wait3A_160 = arith.constant 3 : i32
      %dma_wait3A_161 = arith.constant 0 : i32
      %dma_wait3A_162 = arith.constant 0 : i32
      %dma_wait3A_163 = tpu.memref_slice %arg6[%and3A_116, %dma_wait3A_160, %dma_wait3A_161, %dma_wait3A_162] : memref<2x4x128x16xi32, #tpu.memory_space<vmem>> -> memref<1x1x128x16xi32, #tpu.memory_space<vmem>>
      %dma_wait3A_164 = tpu.memref_squeeze %dma_wait3A_163 : memref<1x1x128x16xi32, #tpu.memory_space<vmem>> -> memref<128x16xi32, #tpu.memory_space<vmem>>
      %dma_wait3A_165 = tpu.memref_slice %arg5[%dma_wait3A_159, %mul3A_158] : memref<4x13312xi32, #tpu.memory_space<vmem>> -> memref<1x128xi32, #tpu.memory_space<vmem>>
      %dma_wait3A_166 = tpu.memref_squeeze %dma_wait3A_165 : memref<1x128xi32, #tpu.memory_space<vmem>> -> memref<128xi32, #tpu.memory_space<vmem>>
      %dma_wait3A_167 = arith.constant 0 : i32
      %dma_wait3A_168 = arith.constant 0 : i32
      %dma_wait3A_169 = tpu.memref_slice %arg3[%dma_wait3A_167, %dma_wait3A_168] : memref<100000x16xi32, #tpu.memory_space<hbm>> -> memref<100000x16xi32, #tpu.memory_space<hbm>>
      tpu.wait_indirect_dma semaphore(%arg8 : memref<!tpu.dma_semaphore, #tpu.memory_space<semaphore_mem>>) src(%dma_wait3A_169 : memref<100000x16xi32, #tpu.memory_space<hbm>>) dst(%dma_wait3A_164 : memref<128x16xi32, #tpu.memory_space<vmem>>)
      %add3A_170 = arith.constant 1 : i32
      %add3A_171 = arith.addi %while3A_114, %add3A_170 : i32
      %lt3A = arith.constant 104 : i32
      %lt3A_172 = arith.cmpi slt, %add3A_171, %lt3A : i32
      %convert_element_type3A = arith.extui %lt3A_172 : i1 to i32
      %cond3A = arith.constant 0 : i32
      %cond3A_173 = arith.cmpi ne, %convert_element_type3A, %cond3A : i32
      scf.if %cond3A_173 {
        %add3A_196 = arith.constant 1 : i32
        %add3A_197 = arith.addi %while3A_114, %add3A_196 : i32
        %mul3A_198 = arith.constant 128 : i32
        %mul3A_199 = arith.muli %add3A_197, %mul3A_198 : i32
        %dma_start3A_200 = arith.constant 0 : i32
        %dma_start3A_201 = arith.constant 0 : i32
        %dma_start3A_202 = arith.constant 0 : i32
        %dma_start3A_203 = arith.constant 0 : i32
        %dma_start3A_204 = tpu.memref_slice %arg6[%xor3A_117, %dma_start3A_201, %dma_start3A_202, %dma_start3A_203] : memref<2x4x128x16xi32, #tpu.memory_space<vmem>> -> memref<1x1x128x16xi32, #tpu.memory_space<vmem>>
        %dma_start3A_205 = tpu.memref_squeeze %dma_start3A_204 : memref<1x1x128x16xi32, #tpu.memory_space<vmem>> -> memref<128x16xi32, #tpu.memory_space<vmem>>
        %dma_start3A_206 = tpu.memref_slice %arg5[%dma_start3A_200, %mul3A_199] : memref<4x13312xi32, #tpu.memory_space<vmem>> -> memref<1x128xi32, #tpu.memory_space<vmem>>
        %dma_start3A_207 = tpu.memref_squeeze %dma_start3A_206 : memref<1x128xi32, #tpu.memory_space<vmem>> -> memref<128xi32, #tpu.memory_space<vmem>>
        %dma_start3A_208 = arith.constant 0 : i32
        %dma_start3A_209 = arith.constant 0 : i32
        %dma_start3A_210 = tpu.memref_slice %arg3[%dma_start3A_208, %dma_start3A_209] : memref<100000x16xi32, #tpu.memory_space<hbm>> -> memref<100000x16xi32, #tpu.memory_space<hbm>>
        tpu.enqueue_indirect_dma source(%dma_start3A_210 : memref<100000x16xi32, #tpu.memory_space<hbm>>) target(%dma_start3A_205 : memref<128x16xi32, #tpu.memory_space<vmem>>) offsets(%dma_start3A_207 : memref<128xi32, #tpu.memory_space<vmem>>) semaphore(%arg8 : memref<!tpu.dma_semaphore, #tpu.memory_space<semaphore_mem>>)
        %mul3A_211 = arith.constant 128 : i32
        %mul3A_212 = arith.muli %add3A_197, %mul3A_211 : i32
        %dma_start3A_213 = arith.constant 1 : i32
        %dma_start3A_214 = arith.constant 1 : i32
        %dma_start3A_215 = arith.constant 0 : i32
        %dma_start3A_216 = arith.constant 0 : i32
        %dma_start3A_217 = tpu.memref_slice %arg6[%xor3A_117, %dma_start3A_214, %dma_start3A_215, %dma_start3A_216] : memref<2x4x128x16xi32, #tpu.memory_space<vmem>> -> memref<1x1x128x16xi32, #tpu.memory_space<vmem>>
        %dma_start3A_218 = tpu.memref_squeeze %dma_start3A_217 : memref<1x1x128x16xi32, #tpu.memory_space<vmem>> -> memref<128x16xi32, #tpu.memory_space<vmem>>
        %dma_start3A_219 = tpu.memref_slice %arg5[%dma_start3A_213, %mul3A_212] : memref<4x13312xi32, #tpu.memory_space<vmem>> -> memref<1x128xi32, #tpu.memory_space<vmem>>
        %dma_start3A_220 = tpu.memref_squeeze %dma_start3A_219 : memref<1x128xi32, #tpu.memory_space<vmem>> -> memref<128xi32, #tpu.memory_space<vmem>>
        %dma_start3A_221 = arith.constant 0 : i32
        %dma_start3A_222 = arith.constant 0 : i32
        %dma_start3A_223 = tpu.memref_slice %arg3[%dma_start3A_221, %dma_start3A_222] : memref<100000x16xi32, #tpu.memory_space<hbm>> -> memref<100000x16xi32, #tpu.memory_space<hbm>>
        tpu.enqueue_indirect_dma source(%dma_start3A_223 : memref<100000x16xi32, #tpu.memory_space<hbm>>) target(%dma_start3A_218 : memref<128x16xi32, #tpu.memory_space<vmem>>) offsets(%dma_start3A_220 : memref<128xi32, #tpu.memory_space<vmem>>) semaphore(%arg8 : memref<!tpu.dma_semaphore, #tpu.memory_space<semaphore_mem>>)
        %mul3A_224 = arith.constant 128 : i32
        %mul3A_225 = arith.muli %add3A_197, %mul3A_224 : i32
        %dma_start3A_226 = arith.constant 2 : i32
        %dma_start3A_227 = arith.constant 2 : i32
        %dma_start3A_228 = arith.constant 0 : i32
        %dma_start3A_229 = arith.constant 0 : i32
        %dma_start3A_230 = tpu.memref_slice %arg6[%xor3A_117, %dma_start3A_227, %dma_start3A_228, %dma_start3A_229] : memref<2x4x128x16xi32, #tpu.memory_space<vmem>> -> memref<1x1x128x16xi32, #tpu.memory_space<vmem>>
        %dma_start3A_231 = tpu.memref_squeeze %dma_start3A_230 : memref<1x1x128x16xi32, #tpu.memory_space<vmem>> -> memref<128x16xi32, #tpu.memory_space<vmem>>
        %dma_start3A_232 = tpu.memref_slice %arg5[%dma_start3A_226, %mul3A_225] : memref<4x13312xi32, #tpu.memory_space<vmem>> -> memref<1x128xi32, #tpu.memory_space<vmem>>
        %dma_start3A_233 = tpu.memref_squeeze %dma_start3A_232 : memref<1x128xi32, #tpu.memory_space<vmem>> -> memref<128xi32, #tpu.memory_space<vmem>>
        %dma_start3A_234 = arith.constant 0 : i32
        %dma_start3A_235 = arith.constant 0 : i32
        %dma_start3A_236 = tpu.memref_slice %arg3[%dma_start3A_234, %dma_start3A_235] : memref<100000x16xi32, #tpu.memory_space<hbm>> -> memref<100000x16xi32, #tpu.memory_space<hbm>>
        tpu.enqueue_indirect_dma source(%dma_start3A_236 : memref<100000x16xi32, #tpu.memory_space<hbm>>) target(%dma_start3A_231 : memref<128x16xi32, #tpu.memory_space<vmem>>) offsets(%dma_start3A_233 : memref<128xi32, #tpu.memory_space<vmem>>) semaphore(%arg8 : memref<!tpu.dma_semaphore, #tpu.memory_space<semaphore_mem>>)
        %mul3A_237 = arith.constant 128 : i32
        %mul3A_238 = arith.muli %add3A_197, %mul3A_237 : i32
        %dma_start3A_239 = arith.constant 3 : i32
        %dma_start3A_240 = arith.constant 3 : i32
        %dma_start3A_241 = arith.constant 0 : i32
        %dma_start3A_242 = arith.constant 0 : i32
        %dma_start3A_243 = tpu.memref_slice %arg6[%xor3A_117, %dma_start3A_240, %dma_start3A_241, %dma_start3A_242] : memref<2x4x128x16xi32, #tpu.memory_space<vmem>> -> memref<1x1x128x16xi32, #tpu.memory_space<vmem>>
        %dma_start3A_244 = tpu.memref_squeeze %dma_start3A_243 : memref<1x1x128x16xi32, #tpu.memory_space<vmem>> -> memref<128x16xi32, #tpu.memory_space<vmem>>
        %dma_start3A_245 = tpu.memref_slice %arg5[%dma_start3A_239, %mul3A_238] : memref<4x13312xi32, #tpu.memory_space<vmem>> -> memref<1x128xi32, #tpu.memory_space<vmem>>
        %dma_start3A_246 = tpu.memref_squeeze %dma_start3A_245 : memref<1x128xi32, #tpu.memory_space<vmem>> -> memref<128xi32, #tpu.memory_space<vmem>>
        %dma_start3A_247 = arith.constant 0 : i32
        %dma_start3A_248 = arith.constant 0 : i32
        %dma_start3A_249 = tpu.memref_slice %arg3[%dma_start3A_247, %dma_start3A_248] : memref<100000x16xi32, #tpu.memory_space<hbm>> -> memref<100000x16xi32, #tpu.memory_space<hbm>>
        tpu.enqueue_indirect_dma source(%dma_start3A_249 : memref<100000x16xi32, #tpu.memory_space<hbm>>) target(%dma_start3A_244 : memref<128x16xi32, #tpu.memory_space<vmem>>) offsets(%dma_start3A_246 : memref<128xi32, #tpu.memory_space<vmem>>) semaphore(%arg8 : memref<!tpu.dma_semaphore, #tpu.memory_space<semaphore_mem>>)
      } else {
      }
      %ge3A = arith.constant 2 : i32
      %ge3A_174 = arith.cmpi sge, %while3A_114, %ge3A : i32
      %convert_element_type3A_175 = arith.extui %ge3A_174 : i1 to i32
      %cond3A_176 = arith.constant 0 : i32
      %cond3A_177 = arith.cmpi ne, %convert_element_type3A_175, %cond3A_176 : i32
      scf.if %cond3A_177 {
        %sub3A = arith.constant 2 : i32
        %sub3A_196 = arith.subi %while3A_114, %sub3A : i32
        %mul3A_197 = arith.constant 128 : i32
        %mul3A_198 = arith.muli %sub3A_196, %mul3A_197 : i32
        %add3A_199 = arith.addi %mul3A_2, %mul3A_198 : i32
        %dma_wait3A_200 = arith.constant 0 : i32
        %dma_wait3A_201 = arith.constant 0 : i32
        %dma_wait3A_202 = tpu.memref_slice %arg7[%and3A_116, %dma_wait3A_200, %dma_wait3A_201] : memref<2x128x32xf32, #tpu.memory_space<vmem>> -> memref<1x128x32xf32, #tpu.memory_space<vmem>>
        %dma_wait3A_203 = tpu.memref_squeeze %dma_wait3A_202 : memref<1x128x32xf32, #tpu.memory_space<vmem>> -> memref<128x32xf32, #tpu.memory_space<vmem>>
        %dma_wait3A_204 = arith.constant 0 : i32
        %dma_wait3A_205 = tpu.memref_slice %arg4[%add3A_199, %dma_wait3A_204] : memref<425984x32xf32, #tpu.memory_space<hbm>> -> memref<128x32xf32, #tpu.memory_space<hbm>>
        %dma_wait3A_206 = arith.constant 0 : i32
        %dma_wait3A_207 = tpu.memref_slice %arg4[%add3A_199, %dma_wait3A_206] : memref<425984x32xf32, #tpu.memory_space<hbm>> -> memref<128x32xf32, #tpu.memory_space<hbm>>
        %dma_wait3A_208 = arith.constant 0 : i32
        %dma_wait3A_209 = arith.constant 0 : i32
        %dma_wait3A_210 = tpu.memref_slice %arg7[%and3A_116, %dma_wait3A_208, %dma_wait3A_209] : memref<2x128x32xf32, #tpu.memory_space<vmem>> -> memref<1x128x32xf32, #tpu.memory_space<vmem>>
        %dma_wait3A_211 = tpu.memref_squeeze %dma_wait3A_210 : memref<1x128x32xf32, #tpu.memory_space<vmem>> -> memref<128x32xf32, #tpu.memory_space<vmem>>
        tpu.wait_dma2 semaphore(%arg9 : memref<!tpu.dma_semaphore, #tpu.memory_space<semaphore_mem>>) src(%dma_wait3A_211 : memref<128x32xf32, #tpu.memory_space<vmem>>) dst(%dma_wait3A_207 : memref<128x32xf32, #tpu.memory_space<hbm>>)
      } else {
      }
      %parallel_loop3A = arith.constant 0 : i32
      %parallel_loop3A_178 = arith.constant 128 : i32
      %parallel_loop3A_179 = arith.constant 1 : i32
      scf.for %parallel_loop3A_196 = %parallel_loop3A to %parallel_loop3A_178 step %parallel_loop3A_179  : i32 {
        %parallel_loop3A_197 = arith.constant 0 : i32
        %parallel_loop3A_198 = arith.index_cast %and3A_116 : i32 to index
        %parallel_loop3A_199 = arith.index_cast %parallel_loop3A_197 : i32 to index
        %parallel_loop3A_200 = arith.index_cast %parallel_loop3A_196 : i32 to index
        %parallel_loop3A_201 = arith.constant 0 : index
        %parallel_loop3A_202 = tpu.vector_load %arg6[%parallel_loop3A_198, %parallel_loop3A_199, %parallel_loop3A_200, %parallel_loop3A_201] {strides = array<i32>} : memref<2x4x128x16xi32, #tpu.memory_space<vmem>>, vector<16xi32>,
        %parallel_loop3A_203 = arith.constant 16 : i32
        %parallel_loop3A_204 = vector.broadcast %parallel_loop3A_203 : i32 to vector<16xi32>
        %parallel_loop3A_205 = arith.shli %parallel_loop3A_202, %parallel_loop3A_204 : vector<16xi32>
        %parallel_loop3A_206 = vector.bitcast %parallel_loop3A_205 : vector<16xi32> to vector<16xf32>
        %parallel_loop3A_207 = arith.constant -65536 : i32
        %parallel_loop3A_208 = vector.broadcast %parallel_loop3A_207 : i32 to vector<16xi32>
        %parallel_loop3A_209 = arith.andi %parallel_loop3A_202, %parallel_loop3A_208 : vector<16xi32>
        %parallel_loop3A_210 = vector.bitcast %parallel_loop3A_209 : vector<16xi32> to vector<16xf32>
        %parallel_loop3A_211 = arith.constant 1 : i32
        %parallel_loop3A_212 = arith.index_cast %and3A_116 : i32 to index
        %parallel_loop3A_213 = arith.index_cast %parallel_loop3A_211 : i32 to index
        %parallel_loop3A_214 = arith.index_cast %parallel_loop3A_196 : i32 to index
        %parallel_loop3A_215 = arith.constant 0 : index
        %parallel_loop3A_216 = tpu.vector_load %arg6[%parallel_loop3A_212, %parallel_loop3A_213, %parallel_loop3A_214, %parallel_loop3A_215] {strides = array<i32>} : memref<2x4x128x16xi32, #tpu.memory_space<vmem>>, vector<16xi32>,
        %parallel_loop3A_217 = arith.constant 16 : i32
        %parallel_loop3A_218 = vector.broadcast %parallel_loop3A_217 : i32 to vector<16xi32>
        %parallel_loop3A_219 = arith.shli %parallel_loop3A_216, %parallel_loop3A_218 : vector<16xi32>
        %parallel_loop3A_220 = vector.bitcast %parallel_loop3A_219 : vector<16xi32> to vector<16xf32>
        %parallel_loop3A_221 = arith.constant -65536 : i32
        %parallel_loop3A_222 = vector.broadcast %parallel_loop3A_221 : i32 to vector<16xi32>
        %parallel_loop3A_223 = arith.andi %parallel_loop3A_216, %parallel_loop3A_222 : vector<16xi32>
        %parallel_loop3A_224 = vector.bitcast %parallel_loop3A_223 : vector<16xi32> to vector<16xf32>
        %parallel_loop3A_225 = arith.addf %parallel_loop3A_206, %parallel_loop3A_220 : vector<16xf32>
        %parallel_loop3A_226 = arith.addf %parallel_loop3A_210, %parallel_loop3A_224 : vector<16xf32>
        %parallel_loop3A_227 = arith.constant 2 : i32
        %parallel_loop3A_228 = arith.index_cast %and3A_116 : i32 to index
        %parallel_loop3A_229 = arith.index_cast %parallel_loop3A_227 : i32 to index
        %parallel_loop3A_230 = arith.index_cast %parallel_loop3A_196 : i32 to index
        %parallel_loop3A_231 = arith.constant 0 : index
        %parallel_loop3A_232 = tpu.vector_load %arg6[%parallel_loop3A_228, %parallel_loop3A_229, %parallel_loop3A_230, %parallel_loop3A_231] {strides = array<i32>} : memref<2x4x128x16xi32, #tpu.memory_space<vmem>>, vector<16xi32>,
        %parallel_loop3A_233 = arith.constant 16 : i32
        %parallel_loop3A_234 = vector.broadcast %parallel_loop3A_233 : i32 to vector<16xi32>
        %parallel_loop3A_235 = arith.shli %parallel_loop3A_232, %parallel_loop3A_234 : vector<16xi32>
        %parallel_loop3A_236 = vector.bitcast %parallel_loop3A_235 : vector<16xi32> to vector<16xf32>
        %parallel_loop3A_237 = arith.constant -65536 : i32
        %parallel_loop3A_238 = vector.broadcast %parallel_loop3A_237 : i32 to vector<16xi32>
        %parallel_loop3A_239 = arith.andi %parallel_loop3A_232, %parallel_loop3A_238 : vector<16xi32>
        %parallel_loop3A_240 = vector.bitcast %parallel_loop3A_239 : vector<16xi32> to vector<16xf32>
        %parallel_loop3A_241 = arith.addf %parallel_loop3A_225, %parallel_loop3A_236 : vector<16xf32>
        %parallel_loop3A_242 = arith.addf %parallel_loop3A_226, %parallel_loop3A_240 : vector<16xf32>
        %parallel_loop3A_243 = arith.constant 3 : i32
        %parallel_loop3A_244 = arith.index_cast %and3A_116 : i32 to index
        %parallel_loop3A_245 = arith.index_cast %parallel_loop3A_243 : i32 to index
        %parallel_loop3A_246 = arith.index_cast %parallel_loop3A_196 : i32 to index
        %parallel_loop3A_247 = arith.constant 0 : index
        %parallel_loop3A_248 = tpu.vector_load %arg6[%parallel_loop3A_244, %parallel_loop3A_245, %parallel_loop3A_246, %parallel_loop3A_247] {strides = array<i32>} : memref<2x4x128x16xi32, #tpu.memory_space<vmem>>, vector<16xi32>,
        %parallel_loop3A_249 = arith.constant 16 : i32
        %parallel_loop3A_250 = vector.broadcast %parallel_loop3A_249 : i32 to vector<16xi32>
        %parallel_loop3A_251 = arith.shli %parallel_loop3A_248, %parallel_loop3A_250 : vector<16xi32>
        %parallel_loop3A_252 = vector.bitcast %parallel_loop3A_251 : vector<16xi32> to vector<16xf32>
        %parallel_loop3A_253 = arith.constant -65536 : i32
        %parallel_loop3A_254 = vector.broadcast %parallel_loop3A_253 : i32 to vector<16xi32>
        %parallel_loop3A_255 = arith.andi %parallel_loop3A_248, %parallel_loop3A_254 : vector<16xi32>
        %parallel_loop3A_256 = vector.bitcast %parallel_loop3A_255 : vector<16xi32> to vector<16xf32>
        %parallel_loop3A_257 = arith.addf %parallel_loop3A_241, %parallel_loop3A_252 : vector<16xf32>
        %parallel_loop3A_258 = arith.addf %parallel_loop3A_242, %parallel_loop3A_256 : vector<16xf32>
        %parallel_loop3A_259 = arith.constant 2.500000e-01 : f32
        %parallel_loop3A_260 = vector.broadcast %parallel_loop3A_259 : f32 to vector<16xf32>
        %parallel_loop3A_261 = arith.mulf %parallel_loop3A_257, %parallel_loop3A_260 : vector<16xf32>
        %parallel_loop3A_262 = arith.index_cast %and3A_116 : i32 to index
        %parallel_loop3A_263 = arith.index_cast %parallel_loop3A_196 : i32 to index
        %parallel_loop3A_264 = arith.constant 0 : index
        %parallel_loop3A_265 = tpu.vector_load %arg7[%parallel_loop3A_262, %parallel_loop3A_263, %parallel_loop3A_264] {strides = array<i32>} : memref<2x128x32xf32, #tpu.memory_space<vmem>>, vector<16xf32>,
        tpu.vector_store %arg7[%parallel_loop3A_262, %parallel_loop3A_263, %parallel_loop3A_264], %parallel_loop3A_261 {strides = array<i32>} : memref<2x128x32xf32, #tpu.memory_space<vmem>>, vector<16xf32>,
        %parallel_loop3A_266 = arith.constant 2.500000e-01 : f32
        %parallel_loop3A_267 = vector.broadcast %parallel_loop3A_266 : f32 to vector<16xf32>
        %parallel_loop3A_268 = arith.mulf %parallel_loop3A_258, %parallel_loop3A_267 : vector<16xf32>
        %parallel_loop3A_269 = arith.index_cast %and3A_116 : i32 to index
        %parallel_loop3A_270 = arith.index_cast %parallel_loop3A_196 : i32 to index
        %parallel_loop3A_271 = arith.constant 16 : index
        %parallel_loop3A_272 = tpu.vector_load %arg7[%parallel_loop3A_269, %parallel_loop3A_270, %parallel_loop3A_271] {strides = array<i32>} : memref<2x128x32xf32, #tpu.memory_space<vmem>>, vector<16xf32>,
        tpu.vector_store %arg7[%parallel_loop3A_269, %parallel_loop3A_270, %parallel_loop3A_271], %parallel_loop3A_268 {strides = array<i32>} : memref<2x128x32xf32, #tpu.memory_space<vmem>>, vector<16xf32>,
      } {sc.loop_unroll_factor = 8 : i64, sc.parallel_access}
      %mul3A_180 = arith.constant 128 : i32
      %mul3A_181 = arith.muli %while3A_114, %mul3A_180 : i32
      %add3A_182 = arith.addi %mul3A_2, %mul3A_181 : i32
      %dma_start3A_183 = arith.constant 0 : i32
      %dma_start3A_184 = arith.constant 0 : i32
      %dma_start3A_185 = tpu.memref_slice %arg7[%and3A_116, %dma_start3A_183, %dma_start3A_184] : memref<2x128x32xf32, #tpu.memory_space<vmem>> -> memref<1x128x32xf32, #tpu.memory_space<vmem>>
      %dma_start3A_186 = tpu.memref_squeeze %dma_start3A_185 : memref<1x128x32xf32, #tpu.memory_space<vmem>> -> memref<128x32xf32, #tpu.memory_space<vmem>>
      %dma_start3A_187 = arith.constant 0 : i32
      %dma_start3A_188 = tpu.memref_slice %arg4[%add3A_182, %dma_start3A_187] : memref<425984x32xf32, #tpu.memory_space<hbm>> -> memref<128x32xf32, #tpu.memory_space<hbm>>
      %dma_start3A_189 = arith.constant 0 : i32
      %dma_start3A_190 = tpu.memref_slice %arg4[%add3A_182, %dma_start3A_189] : memref<425984x32xf32, #tpu.memory_space<hbm>> -> memref<128x32xf32, #tpu.memory_space<hbm>>
      %dma_start3A_191 = arith.constant 0 : i32
      %dma_start3A_192 = arith.constant 0 : i32
      %dma_start3A_193 = tpu.memref_slice %arg7[%and3A_116, %dma_start3A_191, %dma_start3A_192] : memref<2x128x32xf32, #tpu.memory_space<vmem>> -> memref<1x128x32xf32, #tpu.memory_space<vmem>>
      %dma_start3A_194 = tpu.memref_squeeze %dma_start3A_193 : memref<1x128x32xf32, #tpu.memory_space<vmem>> -> memref<128x32xf32, #tpu.memory_space<vmem>>
      tpu.enqueue_dma source(%dma_start3A_194 : memref<128x32xf32, #tpu.memory_space<vmem>>) target(%dma_start3A_190 : memref<128x32xf32, #tpu.memory_space<hbm>>) target_semaphore(%arg9 : memref<!tpu.dma_semaphore, #tpu.memory_space<semaphore_mem>>)
      %while3A_195 = arith.constant 0 : i64
      scf.yield %while3A_195 : i64
    }
    %while3A_79 = arith.constant 1 : i32
    %while3A_80 = scf.for %while3A_114 = %while3A_76 to %while3A_72 step %while3A_79 iter_args(%while3A_115 = %while3A_78) -> (i64)  : i32 {
      %and3A = arith.constant 1 : i32
      %and3A_116 = arith.andi %while3A_114, %and3A : i32
      %xor3A = arith.constant 1 : i32
      %xor3A_117 = arith.xori %and3A_116, %xor3A : i32
      %mul3A_118 = arith.constant 128 : i32
      %mul3A_119 = arith.muli %while3A_114, %mul3A_118 : i32
      %dma_wait3A_120 = arith.constant 0 : i32
      %dma_wait3A_121 = arith.constant 0 : i32
      %dma_wait3A_122 = arith.constant 0 : i32
      %dma_wait3A_123 = arith.constant 0 : i32
      %dma_wait3A_124 = tpu.memref_slice %arg6[%and3A_116, %dma_wait3A_121, %dma_wait3A_122, %dma_wait3A_123] : memref<2x4x128x16xi32, #tpu.memory_space<vmem>> -> memref<1x1x128x16xi32, #tpu.memory_space<vmem>>
      %dma_wait3A_125 = tpu.memref_squeeze %dma_wait3A_124 : memref<1x1x128x16xi32, #tpu.memory_space<vmem>> -> memref<128x16xi32, #tpu.memory_space<vmem>>
      %dma_wait3A_126 = tpu.memref_slice %arg5[%dma_wait3A_120, %mul3A_119] : memref<4x13312xi32, #tpu.memory_space<vmem>> -> memref<1x128xi32, #tpu.memory_space<vmem>>
      %dma_wait3A_127 = tpu.memref_squeeze %dma_wait3A_126 : memref<1x128xi32, #tpu.memory_space<vmem>> -> memref<128xi32, #tpu.memory_space<vmem>>
      %dma_wait3A_128 = arith.constant 0 : i32
      %dma_wait3A_129 = arith.constant 0 : i32
      %dma_wait3A_130 = tpu.memref_slice %arg3[%dma_wait3A_128, %dma_wait3A_129] : memref<100000x16xi32, #tpu.memory_space<hbm>> -> memref<100000x16xi32, #tpu.memory_space<hbm>>
      tpu.wait_indirect_dma semaphore(%arg8 : memref<!tpu.dma_semaphore, #tpu.memory_space<semaphore_mem>>) src(%dma_wait3A_130 : memref<100000x16xi32, #tpu.memory_space<hbm>>) dst(%dma_wait3A_125 : memref<128x16xi32, #tpu.memory_space<vmem>>)
      %mul3A_131 = arith.constant 128 : i32
      %mul3A_132 = arith.muli %while3A_114, %mul3A_131 : i32
      %dma_wait3A_133 = arith.constant 1 : i32
      %dma_wait3A_134 = arith.constant 1 : i32
      %dma_wait3A_135 = arith.constant 0 : i32
      %dma_wait3A_136 = arith.constant 0 : i32
      %dma_wait3A_137 = tpu.memref_slice %arg6[%and3A_116, %dma_wait3A_134, %dma_wait3A_135, %dma_wait3A_136] : memref<2x4x128x16xi32, #tpu.memory_space<vmem>> -> memref<1x1x128x16xi32, #tpu.memory_space<vmem>>
      %dma_wait3A_138 = tpu.memref_squeeze %dma_wait3A_137 : memref<1x1x128x16xi32, #tpu.memory_space<vmem>> -> memref<128x16xi32, #tpu.memory_space<vmem>>
      %dma_wait3A_139 = tpu.memref_slice %arg5[%dma_wait3A_133, %mul3A_132] : memref<4x13312xi32, #tpu.memory_space<vmem>> -> memref<1x128xi32, #tpu.memory_space<vmem>>
      %dma_wait3A_140 = tpu.memref_squeeze %dma_wait3A_139 : memref<1x128xi32, #tpu.memory_space<vmem>> -> memref<128xi32, #tpu.memory_space<vmem>>
      %dma_wait3A_141 = arith.constant 0 : i32
      %dma_wait3A_142 = arith.constant 0 : i32
      %dma_wait3A_143 = tpu.memref_slice %arg3[%dma_wait3A_141, %dma_wait3A_142] : memref<100000x16xi32, #tpu.memory_space<hbm>> -> memref<100000x16xi32, #tpu.memory_space<hbm>>
      tpu.wait_indirect_dma semaphore(%arg8 : memref<!tpu.dma_semaphore, #tpu.memory_space<semaphore_mem>>) src(%dma_wait3A_143 : memref<100000x16xi32, #tpu.memory_space<hbm>>) dst(%dma_wait3A_138 : memref<128x16xi32, #tpu.memory_space<vmem>>)
      %mul3A_144 = arith.constant 128 : i32
      %mul3A_145 = arith.muli %while3A_114, %mul3A_144 : i32
      %dma_wait3A_146 = arith.constant 2 : i32
      %dma_wait3A_147 = arith.constant 2 : i32
      %dma_wait3A_148 = arith.constant 0 : i32
      %dma_wait3A_149 = arith.constant 0 : i32
      %dma_wait3A_150 = tpu.memref_slice %arg6[%and3A_116, %dma_wait3A_147, %dma_wait3A_148, %dma_wait3A_149] : memref<2x4x128x16xi32, #tpu.memory_space<vmem>> -> memref<1x1x128x16xi32, #tpu.memory_space<vmem>>
      %dma_wait3A_151 = tpu.memref_squeeze %dma_wait3A_150 : memref<1x1x128x16xi32, #tpu.memory_space<vmem>> -> memref<128x16xi32, #tpu.memory_space<vmem>>
      %dma_wait3A_152 = tpu.memref_slice %arg5[%dma_wait3A_146, %mul3A_145] : memref<4x13312xi32, #tpu.memory_space<vmem>> -> memref<1x128xi32, #tpu.memory_space<vmem>>
      %dma_wait3A_153 = tpu.memref_squeeze %dma_wait3A_152 : memref<1x128xi32, #tpu.memory_space<vmem>> -> memref<128xi32, #tpu.memory_space<vmem>>
      %dma_wait3A_154 = arith.constant 0 : i32
      %dma_wait3A_155 = arith.constant 0 : i32
      %dma_wait3A_156 = tpu.memref_slice %arg3[%dma_wait3A_154, %dma_wait3A_155] : memref<100000x16xi32, #tpu.memory_space<hbm>> -> memref<100000x16xi32, #tpu.memory_space<hbm>>
      tpu.wait_indirect_dma semaphore(%arg8 : memref<!tpu.dma_semaphore, #tpu.memory_space<semaphore_mem>>) src(%dma_wait3A_156 : memref<100000x16xi32, #tpu.memory_space<hbm>>) dst(%dma_wait3A_151 : memref<128x16xi32, #tpu.memory_space<vmem>>)
      %mul3A_157 = arith.constant 128 : i32
      %mul3A_158 = arith.muli %while3A_114, %mul3A_157 : i32
      %dma_wait3A_159 = arith.constant 3 : i32
      %dma_wait3A_160 = arith.constant 3 : i32
      %dma_wait3A_161 = arith.constant 0 : i32
      %dma_wait3A_162 = arith.constant 0 : i32
      %dma_wait3A_163 = tpu.memref_slice %arg6[%and3A_116, %dma_wait3A_160, %dma_wait3A_161, %dma_wait3A_162] : memref<2x4x128x16xi32, #tpu.memory_space<vmem>> -> memref<1x1x128x16xi32, #tpu.memory_space<vmem>>
      %dma_wait3A_164 = tpu.memref_squeeze %dma_wait3A_163 : memref<1x1x128x16xi32, #tpu.memory_space<vmem>> -> memref<128x16xi32, #tpu.memory_space<vmem>>
      %dma_wait3A_165 = tpu.memref_slice %arg5[%dma_wait3A_159, %mul3A_158] : memref<4x13312xi32, #tpu.memory_space<vmem>> -> memref<1x128xi32, #tpu.memory_space<vmem>>
      %dma_wait3A_166 = tpu.memref_squeeze %dma_wait3A_165 : memref<1x128xi32, #tpu.memory_space<vmem>> -> memref<128xi32, #tpu.memory_space<vmem>>
      %dma_wait3A_167 = arith.constant 0 : i32
      %dma_wait3A_168 = arith.constant 0 : i32
      %dma_wait3A_169 = tpu.memref_slice %arg3[%dma_wait3A_167, %dma_wait3A_168] : memref<100000x16xi32, #tpu.memory_space<hbm>> -> memref<100000x16xi32, #tpu.memory_space<hbm>>
      tpu.wait_indirect_dma semaphore(%arg8 : memref<!tpu.dma_semaphore, #tpu.memory_space<semaphore_mem>>) src(%dma_wait3A_169 : memref<100000x16xi32, #tpu.memory_space<hbm>>) dst(%dma_wait3A_164 : memref<128x16xi32, #tpu.memory_space<vmem>>)
      %add3A_170 = arith.constant 1 : i32
      %add3A_171 = arith.addi %while3A_114, %add3A_170 : i32
      %lt3A = arith.constant 104 : i32
      %lt3A_172 = arith.cmpi slt, %add3A_171, %lt3A : i32
      %convert_element_type3A = arith.extui %lt3A_172 : i1 to i32
      %cond3A = arith.constant 0 : i32
      %cond3A_173 = arith.cmpi ne, %convert_element_type3A, %cond3A : i32
      scf.if %cond3A_173 {
        %add3A_196 = arith.constant 1 : i32
        %add3A_197 = arith.addi %while3A_114, %add3A_196 : i32
        %mul3A_198 = arith.constant 128 : i32
        %mul3A_199 = arith.muli %add3A_197, %mul3A_198 : i32
        %dma_start3A_200 = arith.constant 0 : i32
        %dma_start3A_201 = arith.constant 0 : i32
        %dma_start3A_202 = arith.constant 0 : i32
        %dma_start3A_203 = arith.constant 0 : i32
        %dma_start3A_204 = tpu.memref_slice %arg6[%xor3A_117, %dma_start3A_201, %dma_start3A_202, %dma_start3A_203] : memref<2x4x128x16xi32, #tpu.memory_space<vmem>> -> memref<1x1x128x16xi32, #tpu.memory_space<vmem>>
        %dma_start3A_205 = tpu.memref_squeeze %dma_start3A_204 : memref<1x1x128x16xi32, #tpu.memory_space<vmem>> -> memref<128x16xi32, #tpu.memory_space<vmem>>
        %dma_start3A_206 = tpu.memref_slice %arg5[%dma_start3A_200, %mul3A_199] : memref<4x13312xi32, #tpu.memory_space<vmem>> -> memref<1x128xi32, #tpu.memory_space<vmem>>
        %dma_start3A_207 = tpu.memref_squeeze %dma_start3A_206 : memref<1x128xi32, #tpu.memory_space<vmem>> -> memref<128xi32, #tpu.memory_space<vmem>>
        %dma_start3A_208 = arith.constant 0 : i32
        %dma_start3A_209 = arith.constant 0 : i32
        %dma_start3A_210 = tpu.memref_slice %arg3[%dma_start3A_208, %dma_start3A_209] : memref<100000x16xi32, #tpu.memory_space<hbm>> -> memref<100000x16xi32, #tpu.memory_space<hbm>>
        tpu.enqueue_indirect_dma source(%dma_start3A_210 : memref<100000x16xi32, #tpu.memory_space<hbm>>) target(%dma_start3A_205 : memref<128x16xi32, #tpu.memory_space<vmem>>) offsets(%dma_start3A_207 : memref<128xi32, #tpu.memory_space<vmem>>) semaphore(%arg8 : memref<!tpu.dma_semaphore, #tpu.memory_space<semaphore_mem>>)
        %mul3A_211 = arith.constant 128 : i32
        %mul3A_212 = arith.muli %add3A_197, %mul3A_211 : i32
        %dma_start3A_213 = arith.constant 1 : i32
        %dma_start3A_214 = arith.constant 1 : i32
        %dma_start3A_215 = arith.constant 0 : i32
        %dma_start3A_216 = arith.constant 0 : i32
        %dma_start3A_217 = tpu.memref_slice %arg6[%xor3A_117, %dma_start3A_214, %dma_start3A_215, %dma_start3A_216] : memref<2x4x128x16xi32, #tpu.memory_space<vmem>> -> memref<1x1x128x16xi32, #tpu.memory_space<vmem>>
        %dma_start3A_218 = tpu.memref_squeeze %dma_start3A_217 : memref<1x1x128x16xi32, #tpu.memory_space<vmem>> -> memref<128x16xi32, #tpu.memory_space<vmem>>
        %dma_start3A_219 = tpu.memref_slice %arg5[%dma_start3A_213, %mul3A_212] : memref<4x13312xi32, #tpu.memory_space<vmem>> -> memref<1x128xi32, #tpu.memory_space<vmem>>
        %dma_start3A_220 = tpu.memref_squeeze %dma_start3A_219 : memref<1x128xi32, #tpu.memory_space<vmem>> -> memref<128xi32, #tpu.memory_space<vmem>>
        %dma_start3A_221 = arith.constant 0 : i32
        %dma_start3A_222 = arith.constant 0 : i32
        %dma_start3A_223 = tpu.memref_slice %arg3[%dma_start3A_221, %dma_start3A_222] : memref<100000x16xi32, #tpu.memory_space<hbm>> -> memref<100000x16xi32, #tpu.memory_space<hbm>>
        tpu.enqueue_indirect_dma source(%dma_start3A_223 : memref<100000x16xi32, #tpu.memory_space<hbm>>) target(%dma_start3A_218 : memref<128x16xi32, #tpu.memory_space<vmem>>) offsets(%dma_start3A_220 : memref<128xi32, #tpu.memory_space<vmem>>) semaphore(%arg8 : memref<!tpu.dma_semaphore, #tpu.memory_space<semaphore_mem>>)
        %mul3A_224 = arith.constant 128 : i32
        %mul3A_225 = arith.muli %add3A_197, %mul3A_224 : i32
        %dma_start3A_226 = arith.constant 2 : i32
        %dma_start3A_227 = arith.constant 2 : i32
        %dma_start3A_228 = arith.constant 0 : i32
        %dma_start3A_229 = arith.constant 0 : i32
        %dma_start3A_230 = tpu.memref_slice %arg6[%xor3A_117, %dma_start3A_227, %dma_start3A_228, %dma_start3A_229] : memref<2x4x128x16xi32, #tpu.memory_space<vmem>> -> memref<1x1x128x16xi32, #tpu.memory_space<vmem>>
        %dma_start3A_231 = tpu.memref_squeeze %dma_start3A_230 : memref<1x1x128x16xi32, #tpu.memory_space<vmem>> -> memref<128x16xi32, #tpu.memory_space<vmem>>
        %dma_start3A_232 = tpu.memref_slice %arg5[%dma_start3A_226, %mul3A_225] : memref<4x13312xi32, #tpu.memory_space<vmem>> -> memref<1x128xi32, #tpu.memory_space<vmem>>
        %dma_start3A_233 = tpu.memref_squeeze %dma_start3A_232 : memref<1x128xi32, #tpu.memory_space<vmem>> -> memref<128xi32, #tpu.memory_space<vmem>>
        %dma_start3A_234 = arith.constant 0 : i32
        %dma_start3A_235 = arith.constant 0 : i32
        %dma_start3A_236 = tpu.memref_slice %arg3[%dma_start3A_234, %dma_start3A_235] : memref<100000x16xi32, #tpu.memory_space<hbm>> -> memref<100000x16xi32, #tpu.memory_space<hbm>>
        tpu.enqueue_indirect_dma source(%dma_start3A_236 : memref<100000x16xi32, #tpu.memory_space<hbm>>) target(%dma_start3A_231 : memref<128x16xi32, #tpu.memory_space<vmem>>) offsets(%dma_start3A_233 : memref<128xi32, #tpu.memory_space<vmem>>) semaphore(%arg8 : memref<!tpu.dma_semaphore, #tpu.memory_space<semaphore_mem>>)
        %mul3A_237 = arith.constant 128 : i32
        %mul3A_238 = arith.muli %add3A_197, %mul3A_237 : i32
        %dma_start3A_239 = arith.constant 3 : i32
        %dma_start3A_240 = arith.constant 3 : i32
        %dma_start3A_241 = arith.constant 0 : i32
        %dma_start3A_242 = arith.constant 0 : i32
        %dma_start3A_243 = tpu.memref_slice %arg6[%xor3A_117, %dma_start3A_240, %dma_start3A_241, %dma_start3A_242] : memref<2x4x128x16xi32, #tpu.memory_space<vmem>> -> memref<1x1x128x16xi32, #tpu.memory_space<vmem>>
        %dma_start3A_244 = tpu.memref_squeeze %dma_start3A_243 : memref<1x1x128x16xi32, #tpu.memory_space<vmem>> -> memref<128x16xi32, #tpu.memory_space<vmem>>
        %dma_start3A_245 = tpu.memref_slice %arg5[%dma_start3A_239, %mul3A_238] : memref<4x13312xi32, #tpu.memory_space<vmem>> -> memref<1x128xi32, #tpu.memory_space<vmem>>
        %dma_start3A_246 = tpu.memref_squeeze %dma_start3A_245 : memref<1x128xi32, #tpu.memory_space<vmem>> -> memref<128xi32, #tpu.memory_space<vmem>>
        %dma_start3A_247 = arith.constant 0 : i32
        %dma_start3A_248 = arith.constant 0 : i32
        %dma_start3A_249 = tpu.memref_slice %arg3[%dma_start3A_247, %dma_start3A_248] : memref<100000x16xi32, #tpu.memory_space<hbm>> -> memref<100000x16xi32, #tpu.memory_space<hbm>>
        tpu.enqueue_indirect_dma source(%dma_start3A_249 : memref<100000x16xi32, #tpu.memory_space<hbm>>) target(%dma_start3A_244 : memref<128x16xi32, #tpu.memory_space<vmem>>) offsets(%dma_start3A_246 : memref<128xi32, #tpu.memory_space<vmem>>) semaphore(%arg8 : memref<!tpu.dma_semaphore, #tpu.memory_space<semaphore_mem>>)
      } else {
      }
      %ge3A = arith.constant 2 : i32
      %ge3A_174 = arith.cmpi sge, %while3A_114, %ge3A : i32
      %convert_element_type3A_175 = arith.extui %ge3A_174 : i1 to i32
      %cond3A_176 = arith.constant 0 : i32
      %cond3A_177 = arith.cmpi ne, %convert_element_type3A_175, %cond3A_176 : i32
      scf.if %cond3A_177 {
        %sub3A = arith.constant 2 : i32
        %sub3A_196 = arith.subi %while3A_114, %sub3A : i32
        %mul3A_197 = arith.constant 128 : i32
        %mul3A_198 = arith.muli %sub3A_196, %mul3A_197 : i32
        %add3A_199 = arith.addi %mul3A_2, %mul3A_198 : i32
        %dma_wait3A_200 = arith.constant 0 : i32
        %dma_wait3A_201 = arith.constant 0 : i32
        %dma_wait3A_202 = tpu.memref_slice %arg7[%and3A_116, %dma_wait3A_200, %dma_wait3A_201] : memref<2x128x32xf32, #tpu.memory_space<vmem>> -> memref<1x128x32xf32, #tpu.memory_space<vmem>>
        %dma_wait3A_203 = tpu.memref_squeeze %dma_wait3A_202 : memref<1x128x32xf32, #tpu.memory_space<vmem>> -> memref<128x32xf32, #tpu.memory_space<vmem>>
        %dma_wait3A_204 = arith.constant 0 : i32
        %dma_wait3A_205 = tpu.memref_slice %arg4[%add3A_199, %dma_wait3A_204] : memref<425984x32xf32, #tpu.memory_space<hbm>> -> memref<128x32xf32, #tpu.memory_space<hbm>>
        %dma_wait3A_206 = arith.constant 0 : i32
        %dma_wait3A_207 = tpu.memref_slice %arg4[%add3A_199, %dma_wait3A_206] : memref<425984x32xf32, #tpu.memory_space<hbm>> -> memref<128x32xf32, #tpu.memory_space<hbm>>
        %dma_wait3A_208 = arith.constant 0 : i32
        %dma_wait3A_209 = arith.constant 0 : i32
        %dma_wait3A_210 = tpu.memref_slice %arg7[%and3A_116, %dma_wait3A_208, %dma_wait3A_209] : memref<2x128x32xf32, #tpu.memory_space<vmem>> -> memref<1x128x32xf32, #tpu.memory_space<vmem>>
        %dma_wait3A_211 = tpu.memref_squeeze %dma_wait3A_210 : memref<1x128x32xf32, #tpu.memory_space<vmem>> -> memref<128x32xf32, #tpu.memory_space<vmem>>
        tpu.wait_dma2 semaphore(%arg9 : memref<!tpu.dma_semaphore, #tpu.memory_space<semaphore_mem>>) src(%dma_wait3A_211 : memref<128x32xf32, #tpu.memory_space<vmem>>) dst(%dma_wait3A_207 : memref<128x32xf32, #tpu.memory_space<hbm>>)
      } else {
      }
      %parallel_loop3A = arith.constant 0 : i32
      %parallel_loop3A_178 = arith.constant 128 : i32
      %parallel_loop3A_179 = arith.constant 1 : i32
      scf.for %parallel_loop3A_196 = %parallel_loop3A to %parallel_loop3A_178 step %parallel_loop3A_179  : i32 {
        %parallel_loop3A_197 = arith.constant 0 : i32
        %parallel_loop3A_198 = arith.index_cast %and3A_116 : i32 to index
        %parallel_loop3A_199 = arith.index_cast %parallel_loop3A_197 : i32 to index
        %parallel_loop3A_200 = arith.index_cast %parallel_loop3A_196 : i32 to index
        %parallel_loop3A_201 = arith.constant 0 : index
        %parallel_loop3A_202 = tpu.vector_load %arg6[%parallel_loop3A_198, %parallel_loop3A_199, %parallel_loop3A_200, %parallel_loop3A_201] {strides = array<i32>} : memref<2x4x128x16xi32, #tpu.memory_space<vmem>>, vector<16xi32>,
        %parallel_loop3A_203 = arith.constant 16 : i32
        %parallel_loop3A_204 = vector.broadcast %parallel_loop3A_203 : i32 to vector<16xi32>
        %parallel_loop3A_205 = arith.shli %parallel_loop3A_202, %parallel_loop3A_204 : vector<16xi32>
        %parallel_loop3A_206 = vector.bitcast %parallel_loop3A_205 : vector<16xi32> to vector<16xf32>
        %parallel_loop3A_207 = arith.constant -65536 : i32
        %parallel_loop3A_208 = vector.broadcast %parallel_loop3A_207 : i32 to vector<16xi32>
        %parallel_loop3A_209 = arith.andi %parallel_loop3A_202, %parallel_loop3A_208 : vector<16xi32>
        %parallel_loop3A_210 = vector.bitcast %parallel_loop3A_209 : vector<16xi32> to vector<16xf32>
        %parallel_loop3A_211 = arith.constant 1 : i32
        %parallel_loop3A_212 = arith.index_cast %and3A_116 : i32 to index
        %parallel_loop3A_213 = arith.index_cast %parallel_loop3A_211 : i32 to index
        %parallel_loop3A_214 = arith.index_cast %parallel_loop3A_196 : i32 to index
        %parallel_loop3A_215 = arith.constant 0 : index
        %parallel_loop3A_216 = tpu.vector_load %arg6[%parallel_loop3A_212, %parallel_loop3A_213, %parallel_loop3A_214, %parallel_loop3A_215] {strides = array<i32>} : memref<2x4x128x16xi32, #tpu.memory_space<vmem>>, vector<16xi32>,
        %parallel_loop3A_217 = arith.constant 16 : i32
        %parallel_loop3A_218 = vector.broadcast %parallel_loop3A_217 : i32 to vector<16xi32>
        %parallel_loop3A_219 = arith.shli %parallel_loop3A_216, %parallel_loop3A_218 : vector<16xi32>
        %parallel_loop3A_220 = vector.bitcast %parallel_loop3A_219 : vector<16xi32> to vector<16xf32>
        %parallel_loop3A_221 = arith.constant -65536 : i32
        %parallel_loop3A_222 = vector.broadcast %parallel_loop3A_221 : i32 to vector<16xi32>
        %parallel_loop3A_223 = arith.andi %parallel_loop3A_216, %parallel_loop3A_222 : vector<16xi32>
        %parallel_loop3A_224 = vector.bitcast %parallel_loop3A_223 : vector<16xi32> to vector<16xf32>
        %parallel_loop3A_225 = arith.addf %parallel_loop3A_206, %parallel_loop3A_220 : vector<16xf32>
        %parallel_loop3A_226 = arith.addf %parallel_loop3A_210, %parallel_loop3A_224 : vector<16xf32>
        %parallel_loop3A_227 = arith.constant 2 : i32
        %parallel_loop3A_228 = arith.index_cast %and3A_116 : i32 to index
        %parallel_loop3A_229 = arith.index_cast %parallel_loop3A_227 : i32 to index
        %parallel_loop3A_230 = arith.index_cast %parallel_loop3A_196 : i32 to index
        %parallel_loop3A_231 = arith.constant 0 : index
        %parallel_loop3A_232 = tpu.vector_load %arg6[%parallel_loop3A_228, %parallel_loop3A_229, %parallel_loop3A_230, %parallel_loop3A_231] {strides = array<i32>} : memref<2x4x128x16xi32, #tpu.memory_space<vmem>>, vector<16xi32>,
        %parallel_loop3A_233 = arith.constant 16 : i32
        %parallel_loop3A_234 = vector.broadcast %parallel_loop3A_233 : i32 to vector<16xi32>
        %parallel_loop3A_235 = arith.shli %parallel_loop3A_232, %parallel_loop3A_234 : vector<16xi32>
        %parallel_loop3A_236 = vector.bitcast %parallel_loop3A_235 : vector<16xi32> to vector<16xf32>
        %parallel_loop3A_237 = arith.constant -65536 : i32
        %parallel_loop3A_238 = vector.broadcast %parallel_loop3A_237 : i32 to vector<16xi32>
        %parallel_loop3A_239 = arith.andi %parallel_loop3A_232, %parallel_loop3A_238 : vector<16xi32>
        %parallel_loop3A_240 = vector.bitcast %parallel_loop3A_239 : vector<16xi32> to vector<16xf32>
        %parallel_loop3A_241 = arith.addf %parallel_loop3A_225, %parallel_loop3A_236 : vector<16xf32>
        %parallel_loop3A_242 = arith.addf %parallel_loop3A_226, %parallel_loop3A_240 : vector<16xf32>
        %parallel_loop3A_243 = arith.constant 3 : i32
        %parallel_loop3A_244 = arith.index_cast %and3A_116 : i32 to index
        %parallel_loop3A_245 = arith.index_cast %parallel_loop3A_243 : i32 to index
        %parallel_loop3A_246 = arith.index_cast %parallel_loop3A_196 : i32 to index
        %parallel_loop3A_247 = arith.constant 0 : index
        %parallel_loop3A_248 = tpu.vector_load %arg6[%parallel_loop3A_244, %parallel_loop3A_245, %parallel_loop3A_246, %parallel_loop3A_247] {strides = array<i32>} : memref<2x4x128x16xi32, #tpu.memory_space<vmem>>, vector<16xi32>,
        %parallel_loop3A_249 = arith.constant 16 : i32
        %parallel_loop3A_250 = vector.broadcast %parallel_loop3A_249 : i32 to vector<16xi32>
        %parallel_loop3A_251 = arith.shli %parallel_loop3A_248, %parallel_loop3A_250 : vector<16xi32>
        %parallel_loop3A_252 = vector.bitcast %parallel_loop3A_251 : vector<16xi32> to vector<16xf32>
        %parallel_loop3A_253 = arith.constant -65536 : i32
        %parallel_loop3A_254 = vector.broadcast %parallel_loop3A_253 : i32 to vector<16xi32>
        %parallel_loop3A_255 = arith.andi %parallel_loop3A_248, %parallel_loop3A_254 : vector<16xi32>
        %parallel_loop3A_256 = vector.bitcast %parallel_loop3A_255 : vector<16xi32> to vector<16xf32>
        %parallel_loop3A_257 = arith.addf %parallel_loop3A_241, %parallel_loop3A_252 : vector<16xf32>
        %parallel_loop3A_258 = arith.addf %parallel_loop3A_242, %parallel_loop3A_256 : vector<16xf32>
        %parallel_loop3A_259 = arith.constant 2.500000e-01 : f32
        %parallel_loop3A_260 = vector.broadcast %parallel_loop3A_259 : f32 to vector<16xf32>
        %parallel_loop3A_261 = arith.mulf %parallel_loop3A_257, %parallel_loop3A_260 : vector<16xf32>
        %parallel_loop3A_262 = arith.index_cast %and3A_116 : i32 to index
        %parallel_loop3A_263 = arith.index_cast %parallel_loop3A_196 : i32 to index
        %parallel_loop3A_264 = arith.constant 0 : index
        %parallel_loop3A_265 = tpu.vector_load %arg7[%parallel_loop3A_262, %parallel_loop3A_263, %parallel_loop3A_264] {strides = array<i32>} : memref<2x128x32xf32, #tpu.memory_space<vmem>>, vector<16xf32>,
        tpu.vector_store %arg7[%parallel_loop3A_262, %parallel_loop3A_263, %parallel_loop3A_264], %parallel_loop3A_261 {strides = array<i32>} : memref<2x128x32xf32, #tpu.memory_space<vmem>>, vector<16xf32>,
        %parallel_loop3A_266 = arith.constant 2.500000e-01 : f32
        %parallel_loop3A_267 = vector.broadcast %parallel_loop3A_266 : f32 to vector<16xf32>
        %parallel_loop3A_268 = arith.mulf %parallel_loop3A_258, %parallel_loop3A_267 : vector<16xf32>
        %parallel_loop3A_269 = arith.index_cast %and3A_116 : i32 to index
        %parallel_loop3A_270 = arith.index_cast %parallel_loop3A_196 : i32 to index
        %parallel_loop3A_271 = arith.constant 16 : index
        %parallel_loop3A_272 = tpu.vector_load %arg7[%parallel_loop3A_269, %parallel_loop3A_270, %parallel_loop3A_271] {strides = array<i32>} : memref<2x128x32xf32, #tpu.memory_space<vmem>>, vector<16xf32>,
        tpu.vector_store %arg7[%parallel_loop3A_269, %parallel_loop3A_270, %parallel_loop3A_271], %parallel_loop3A_268 {strides = array<i32>} : memref<2x128x32xf32, #tpu.memory_space<vmem>>, vector<16xf32>,
      } {sc.loop_unroll_factor = 8 : i64, sc.parallel_access}
      %mul3A_180 = arith.constant 128 : i32
      %mul3A_181 = arith.muli %while3A_114, %mul3A_180 : i32
      %add3A_182 = arith.addi %mul3A_2, %mul3A_181 : i32
      %dma_start3A_183 = arith.constant 0 : i32
      %dma_start3A_184 = arith.constant 0 : i32
      %dma_start3A_185 = tpu.memref_slice %arg7[%and3A_116, %dma_start3A_183, %dma_start3A_184] : memref<2x128x32xf32, #tpu.memory_space<vmem>> -> memref<1x128x32xf32, #tpu.memory_space<vmem>>
      %dma_start3A_186 = tpu.memref_squeeze %dma_start3A_185 : memref<1x128x32xf32, #tpu.memory_space<vmem>> -> memref<128x32xf32, #tpu.memory_space<vmem>>
      %dma_start3A_187 = arith.constant 0 : i32
      %dma_start3A_188 = tpu.memref_slice %arg4[%add3A_182, %dma_start3A_187] : memref<425984x32xf32, #tpu.memory_space<hbm>> -> memref<128x32xf32, #tpu.memory_space<hbm>>
      %dma_start3A_189 = arith.constant 0 : i32
      %dma_start3A_190 = tpu.memref_slice %arg4[%add3A_182, %dma_start3A_189] : memref<425984x32xf32, #tpu.memory_space<hbm>> -> memref<128x32xf32, #tpu.memory_space<hbm>>
      %dma_start3A_191 = arith.constant 0 : i32
      %dma_start3A_192 = arith.constant 0 : i32
      %dma_start3A_193 = tpu.memref_slice %arg7[%and3A_116, %dma_start3A_191, %dma_start3A_192] : memref<2x128x32xf32, #tpu.memory_space<vmem>> -> memref<1x128x32xf32, #tpu.memory_space<vmem>>
      %dma_start3A_194 = tpu.memref_squeeze %dma_start3A_193 : memref<1x128x32xf32, #tpu.memory_space<vmem>> -> memref<128x32xf32, #tpu.memory_space<vmem>>
      tpu.enqueue_dma source(%dma_start3A_194 : memref<128x32xf32, #tpu.memory_space<vmem>>) target(%dma_start3A_190 : memref<128x32xf32, #tpu.memory_space<hbm>>) target_semaphore(%arg9 : memref<!tpu.dma_semaphore, #tpu.memory_space<semaphore_mem>>)
      %while3A_195 = arith.constant 0 : i64
      scf.yield %while3A_195 : i64
    }
    %mul3A_81 = arith.constant 102 : i32
    %mul3A_82 = arith.constant 128 : i32
    %mul3A_83 = arith.muli %mul3A_81, %mul3A_82 : i32
    %add3A_84 = arith.addi %mul3A_2, %mul3A_83 : i32
    %dma_wait3A = arith.constant 0 : i32
    %dma_wait3A_85 = arith.constant 0 : i32
    %dma_wait3A_86 = arith.constant 0 : i32
    %dma_wait3A_87 = tpu.memref_slice %arg7[%dma_wait3A, %dma_wait3A_85, %dma_wait3A_86] : memref<2x128x32xf32, #tpu.memory_space<vmem>> -> memref<1x128x32xf32, #tpu.memory_space<vmem>>
    %dma_wait3A_88 = tpu.memref_squeeze %dma_wait3A_87 : memref<1x128x32xf32, #tpu.memory_space<vmem>> -> memref<128x32xf32, #tpu.memory_space<vmem>>
    %dma_wait3A_89 = arith.constant 0 : i32
    %dma_wait3A_90 = tpu.memref_slice %arg4[%add3A_84, %dma_wait3A_89] : memref<425984x32xf32, #tpu.memory_space<hbm>> -> memref<128x32xf32, #tpu.memory_space<hbm>>
    %dma_wait3A_91 = arith.constant 0 : i32
    %dma_wait3A_92 = tpu.memref_slice %arg4[%add3A_84, %dma_wait3A_91] : memref<425984x32xf32, #tpu.memory_space<hbm>> -> memref<128x32xf32, #tpu.memory_space<hbm>>
    %dma_wait3A_93 = arith.constant 0 : i32
    %dma_wait3A_94 = arith.constant 0 : i32
    %dma_wait3A_95 = tpu.memref_slice %arg7[%dma_wait3A, %dma_wait3A_93, %dma_wait3A_94] : memref<2x128x32xf32, #tpu.memory_space<vmem>> -> memref<1x128x32xf32, #tpu.memory_space<vmem>>
    %dma_wait3A_96 = tpu.memref_squeeze %dma_wait3A_95 : memref<1x128x32xf32, #tpu.memory_space<vmem>> -> memref<128x32xf32, #tpu.memory_space<vmem>>
    tpu.wait_dma2 semaphore(%arg9 : memref<!tpu.dma_semaphore, #tpu.memory_space<semaphore_mem>>) src(%dma_wait3A_96 : memref<128x32xf32, #tpu.memory_space<vmem>>) dst(%dma_wait3A_92 : memref<128x32xf32, #tpu.memory_space<hbm>>)
    %mul3A_97 = arith.constant 103 : i32
    %mul3A_98 = arith.constant 128 : i32
    %mul3A_99 = arith.muli %mul3A_97, %mul3A_98 : i32
    %add3A_100 = arith.addi %mul3A_2, %mul3A_99 : i32
    %dma_wait3A_101 = arith.constant 1 : i32
    %dma_wait3A_102 = arith.constant 0 : i32
    %dma_wait3A_103 = arith.constant 0 : i32
    %dma_wait3A_104 = tpu.memref_slice %arg7[%dma_wait3A_101, %dma_wait3A_102, %dma_wait3A_103] : memref<2x128x32xf32, #tpu.memory_space<vmem>> -> memref<1x128x32xf32, #tpu.memory_space<vmem>>
    %dma_wait3A_105 = tpu.memref_squeeze %dma_wait3A_104 : memref<1x128x32xf32, #tpu.memory_space<vmem>> -> memref<128x32xf32, #tpu.memory_space<vmem>>
    %dma_wait3A_106 = arith.constant 0 : i32
    %dma_wait3A_107 = tpu.memref_slice %arg4[%add3A_100, %dma_wait3A_106] : memref<425984x32xf32, #tpu.memory_space<hbm>> -> memref<128x32xf32, #tpu.memory_space<hbm>>
    %dma_wait3A_108 = arith.constant 0 : i32
    %dma_wait3A_109 = tpu.memref_slice %arg4[%add3A_100, %dma_wait3A_108] : memref<425984x32xf32, #tpu.memory_space<hbm>> -> memref<128x32xf32, #tpu.memory_space<hbm>>
    %dma_wait3A_110 = arith.constant 0 : i32
    %dma_wait3A_111 = arith.constant 0 : i32
    %dma_wait3A_112 = tpu.memref_slice %arg7[%dma_wait3A_101, %dma_wait3A_110, %dma_wait3A_111] : memref<2x128x32xf32, #tpu.memory_space<vmem>> -> memref<1x128x32xf32, #tpu.memory_space<vmem>>
    %dma_wait3A_113 = tpu.memref_squeeze %dma_wait3A_112 : memref<1x128x32xf32, #tpu.memory_space<vmem>> -> memref<128x32xf32, #tpu.memory_space<vmem>>
    tpu.wait_dma2 semaphore(%arg9 : memref<!tpu.dma_semaphore, #tpu.memory_space<semaphore_mem>>) src(%dma_wait3A_113 : memref<128x32xf32, #tpu.memory_space<vmem>>) dst(%dma_wait3A_109 : memref<128x32xf32, #tpu.memory_space<hbm>>)
    return
  }
}

module attributes {stable_mosaic.version = 14 : i64} {
  func.func @_tc_hash_body(%arg0: i32, %arg1: memref<128x128xi32, #tpu.memory_space<vmem>>, %arg2: memref<4x128x128xi32, #tpu.memory_space<vmem>>) attributes {dimension_semantics = [#tpu.dimension_semantics<arbitrary>], iteration_bounds = array<i64: 26>, scalar_prefetch = 0 : i64, scratch_operands = 0 : i64, tpu.core_type = #tpu.core_type<tc>, window_params = [{transform_indices = @transform_0, window_bounds = array<i64: 128, 128>}, {transform_indices = @transform_1, window_bounds = array<i64: 4, 128, 128>}]} {
    %get3A = arith.constant 0 : index
    %get3A_0 = arith.constant 0 : index
    %get3A_1 = vector.load %arg1[%get3A, %get3A_0] : memref<128x128xi32, #tpu.memory_space<vmem>>, vector<128x128xi32>
    %add3A = arith.constant 0 : i32
    %add3A_2 = vector.broadcast %add3A : i32 to vector<128x128xi32>
    %add3A_3 = arith.addi %get3A_1, %add3A_2 : vector<128x128xi32>
    %shift_right_logical3A = arith.constant 16 : i32
    %shift_right_logical3A_4 = vector.broadcast %shift_right_logical3A : i32 to vector<128x128xi32>
    %shift_right_logical3A_5 = arith.shrui %add3A_3, %shift_right_logical3A_4 : vector<128x128xi32>
    %xor3A = arith.xori %shift_right_logical3A_5, %add3A_3 : vector<128x128xi32>
    %broadcast_in_dim3A = arith.constant 0 : i32
    %broadcast_in_dim3A_6 = vector.broadcast %broadcast_in_dim3A : i32 to vector<128x128xi32>
    %and3A = arith.constant 65535 : i32
    %and3A_7 = vector.broadcast %and3A : i32 to vector<128x128xi32>
    %and3A_8 = arith.andi %xor3A, %and3A_7 : vector<128x128xi32>
    %shift_right_logical3A_9 = arith.constant 16 : i32
    %shift_right_logical3A_10 = vector.broadcast %shift_right_logical3A_9 : i32 to vector<128x128xi32>
    %shift_right_logical3A_11 = arith.shrui %xor3A, %shift_right_logical3A_10 : vector<128x128xi32>
    %mul3A = arith.constant 40763 : i32
    %mul3A_12 = vector.broadcast %mul3A : i32 to vector<128x128xi32>
    %mul3A_13 = arith.muli %and3A_8, %mul3A_12 : vector<128x128xi32>
    %mul3A_14 = arith.constant 1117 : i32
    %mul3A_15 = vector.broadcast %mul3A_14 : i32 to vector<128x128xi32>
    %mul3A_16 = arith.muli %and3A_8, %mul3A_15 : vector<128x128xi32>
    %mul3A_17 = arith.constant 40763 : i32
    %mul3A_18 = vector.broadcast %mul3A_17 : i32 to vector<128x128xi32>
    %mul3A_19 = arith.muli %shift_right_logical3A_11, %mul3A_18 : vector<128x128xi32>
    %mul3A_20 = arith.constant 1117 : i32
    %mul3A_21 = vector.broadcast %mul3A_20 : i32 to vector<128x128xi32>
    %mul3A_22 = arith.muli %shift_right_logical3A_11, %mul3A_21 : vector<128x128xi32>
    %shift_right_logical3A_23 = arith.constant 16 : i32
    %shift_right_logical3A_24 = vector.broadcast %shift_right_logical3A_23 : i32 to vector<128x128xi32>
    %shift_right_logical3A_25 = arith.shrui %mul3A_13, %shift_right_logical3A_24 : vector<128x128xi32>
    %add3A_26 = arith.addi %mul3A_19, %shift_right_logical3A_25 : vector<128x128xi32>
    %and3A_27 = arith.constant 65535 : i32
    %and3A_28 = vector.broadcast %and3A_27 : i32 to vector<128x128xi32>
    %and3A_29 = arith.andi %add3A_26, %and3A_28 : vector<128x128xi32>
    %add3A_30 = arith.addi %mul3A_16, %and3A_29 : vector<128x128xi32>
    %shift_left3A = arith.constant 16 : i32
    %shift_left3A_31 = vector.broadcast %shift_left3A : i32 to vector<128x128xi32>
    %shift_left3A_32 = arith.shli %add3A_30, %shift_left3A_31 : vector<128x128xi32>
    %and3A_33 = arith.constant 65535 : i32
    %and3A_34 = vector.broadcast %and3A_33 : i32 to vector<128x128xi32>
    %and3A_35 = arith.andi %mul3A_13, %and3A_34 : vector<128x128xi32>
    %or3A = arith.ori %shift_left3A_32, %and3A_35 : vector<128x128xi32>
    %shift_right_logical3A_36 = arith.constant 16 : i32
    %shift_right_logical3A_37 = vector.broadcast %shift_right_logical3A_36 : i32 to vector<128x128xi32>
    %shift_right_logical3A_38 = arith.shrui %add3A_26, %shift_right_logical3A_37 : vector<128x128xi32>
    %add3A_39 = arith.addi %mul3A_22, %shift_right_logical3A_38 : vector<128x128xi32>
    %shift_right_logical3A_40 = arith.constant 16 : i32
    %shift_right_logical3A_41 = vector.broadcast %shift_right_logical3A_40 : i32 to vector<128x128xi32>
    %shift_right_logical3A_42 = arith.shrui %add3A_30, %shift_right_logical3A_41 : vector<128x128xi32>
    %add3A_43 = arith.addi %add3A_39, %shift_right_logical3A_42 : vector<128x128xi32>
    %mul3A_44 = arith.constant 73244475 : i32
    %mul3A_45 = vector.broadcast %mul3A_44 : i32 to vector<128x128xi32>
    %mul3A_46 = arith.muli %broadcast_in_dim3A_6, %mul3A_45 : vector<128x128xi32>
    %add3A_47 = arith.addi %mul3A_46, %add3A_43 : vector<128x128xi32>
    %shift_right_logical3A_48 = arith.constant 16 : i32
    %shift_right_logical3A_49 = vector.broadcast %shift_right_logical3A_48 : i32 to vector<128x128xi32>
    %shift_right_logical3A_50 = arith.shrui %or3A, %shift_right_logical3A_49 : vector<128x128xi32>
    %shift_left3A_51 = arith.constant 16 : i32
    %shift_left3A_52 = vector.broadcast %shift_left3A_51 : i32 to vector<128x128xi32>
    %shift_left3A_53 = arith.shli %add3A_47, %shift_left3A_52 : vector<128x128xi32>
    %or3A_54 = arith.ori %shift_right_logical3A_50, %shift_left3A_53 : vector<128x128xi32>
    %shift_right_arithmetic3A = arith.constant 16 : i32
    %shift_right_arithmetic3A_55 = vector.broadcast %shift_right_arithmetic3A : i32 to vector<128x128xi32>
    %shift_right_arithmetic3A_56 = arith.shrsi %add3A_47, %shift_right_arithmetic3A_55 : vector<128x128xi32>
    %xor3A_57 = arith.xori %shift_right_arithmetic3A_56, %add3A_47 : vector<128x128xi32>
    %xor3A_58 = arith.xori %or3A_54, %or3A : vector<128x128xi32>
    %and3A_59 = arith.constant 65535 : i32
    %and3A_60 = vector.broadcast %and3A_59 : i32 to vector<128x128xi32>
    %and3A_61 = arith.andi %xor3A_58, %and3A_60 : vector<128x128xi32>
    %shift_right_logical3A_62 = arith.constant 16 : i32
    %shift_right_logical3A_63 = vector.broadcast %shift_right_logical3A_62 : i32 to vector<128x128xi32>
    %shift_right_logical3A_64 = arith.shrui %xor3A_58, %shift_right_logical3A_63 : vector<128x128xi32>
    %mul3A_65 = arith.constant 40763 : i32
    %mul3A_66 = vector.broadcast %mul3A_65 : i32 to vector<128x128xi32>
    %mul3A_67 = arith.muli %and3A_61, %mul3A_66 : vector<128x128xi32>
    %mul3A_68 = arith.constant 1117 : i32
    %mul3A_69 = vector.broadcast %mul3A_68 : i32 to vector<128x128xi32>
    %mul3A_70 = arith.muli %and3A_61, %mul3A_69 : vector<128x128xi32>
    %mul3A_71 = arith.constant 40763 : i32
    %mul3A_72 = vector.broadcast %mul3A_71 : i32 to vector<128x128xi32>
    %mul3A_73 = arith.muli %shift_right_logical3A_64, %mul3A_72 : vector<128x128xi32>
    %mul3A_74 = arith.constant 1117 : i32
    %mul3A_75 = vector.broadcast %mul3A_74 : i32 to vector<128x128xi32>
    %mul3A_76 = arith.muli %shift_right_logical3A_64, %mul3A_75 : vector<128x128xi32>
    %shift_right_logical3A_77 = arith.constant 16 : i32
    %shift_right_logical3A_78 = vector.broadcast %shift_right_logical3A_77 : i32 to vector<128x128xi32>
    %shift_right_logical3A_79 = arith.shrui %mul3A_67, %shift_right_logical3A_78 : vector<128x128xi32>
    %add3A_80 = arith.addi %mul3A_73, %shift_right_logical3A_79 : vector<128x128xi32>
    %and3A_81 = arith.constant 65535 : i32
    %and3A_82 = vector.broadcast %and3A_81 : i32 to vector<128x128xi32>
    %and3A_83 = arith.andi %add3A_80, %and3A_82 : vector<128x128xi32>
    %add3A_84 = arith.addi %mul3A_70, %and3A_83 : vector<128x128xi32>
    %shift_left3A_85 = arith.constant 16 : i32
    %shift_left3A_86 = vector.broadcast %shift_left3A_85 : i32 to vector<128x128xi32>
    %shift_left3A_87 = arith.shli %add3A_84, %shift_left3A_86 : vector<128x128xi32>
    %and3A_88 = arith.constant 65535 : i32
    %and3A_89 = vector.broadcast %and3A_88 : i32 to vector<128x128xi32>
    %and3A_90 = arith.andi %mul3A_67, %and3A_89 : vector<128x128xi32>
    %or3A_91 = arith.ori %shift_left3A_87, %and3A_90 : vector<128x128xi32>
    %shift_right_logical3A_92 = arith.constant 16 : i32
    %shift_right_logical3A_93 = vector.broadcast %shift_right_logical3A_92 : i32 to vector<128x128xi32>
    %shift_right_logical3A_94 = arith.shrui %add3A_80, %shift_right_logical3A_93 : vector<128x128xi32>
    %add3A_95 = arith.addi %mul3A_76, %shift_right_logical3A_94 : vector<128x128xi32>
    %shift_right_logical3A_96 = arith.constant 16 : i32
    %shift_right_logical3A_97 = vector.broadcast %shift_right_logical3A_96 : i32 to vector<128x128xi32>
    %shift_right_logical3A_98 = arith.shrui %add3A_84, %shift_right_logical3A_97 : vector<128x128xi32>
    %add3A_99 = arith.addi %add3A_95, %shift_right_logical3A_98 : vector<128x128xi32>
    %mul3A_100 = arith.constant 73244475 : i32
    %mul3A_101 = vector.broadcast %mul3A_100 : i32 to vector<128x128xi32>
    %mul3A_102 = arith.muli %xor3A_57, %mul3A_101 : vector<128x128xi32>
    %add3A_103 = arith.addi %mul3A_102, %add3A_99 : vector<128x128xi32>
    %shift_right_logical3A_104 = arith.constant 16 : i32
    %shift_right_logical3A_105 = vector.broadcast %shift_right_logical3A_104 : i32 to vector<128x128xi32>
    %shift_right_logical3A_106 = arith.shrui %or3A_91, %shift_right_logical3A_105 : vector<128x128xi32>
    %shift_left3A_107 = arith.constant 16 : i32
    %shift_left3A_108 = vector.broadcast %shift_left3A_107 : i32 to vector<128x128xi32>
    %shift_left3A_109 = arith.shli %add3A_103, %shift_left3A_108 : vector<128x128xi32>
    %or3A_110 = arith.ori %shift_right_logical3A_106, %shift_left3A_109 : vector<128x128xi32>
    %shift_right_arithmetic3A_111 = arith.constant 16 : i32
    %shift_right_arithmetic3A_112 = vector.broadcast %shift_right_arithmetic3A_111 : i32 to vector<128x128xi32>
    %shift_right_arithmetic3A_113 = arith.shrsi %add3A_103, %shift_right_arithmetic3A_112 : vector<128x128xi32>
    %xor3A_114 = arith.xori %shift_right_arithmetic3A_113, %add3A_103 : vector<128x128xi32>
    %xor3A_115 = arith.xori %or3A_110, %or3A_91 : vector<128x128xi32>
    %and3A_116 = arith.constant 2147483647 : i32
    %and3A_117 = vector.broadcast %and3A_116 : i32 to vector<128x128xi32>
    %and3A_118 = arith.andi %xor3A_114, %and3A_117 : vector<128x128xi32>
    %and3A_119 = arith.constant 2147483647 : i32
    %and3A_120 = vector.broadcast %and3A_119 : i32 to vector<128x128xi32>
    %and3A_121 = arith.andi %xor3A_115, %and3A_120 : vector<128x128xi32>
    %and3A_122 = arith.constant 65535 : i32
    %and3A_123 = vector.broadcast %and3A_122 : i32 to vector<128x128xi32>
    %and3A_124 = arith.andi %and3A_118, %and3A_123 : vector<128x128xi32>
    %shift_right_logical3A_125 = arith.constant 16 : i32
    %shift_right_logical3A_126 = vector.broadcast %shift_right_logical3A_125 : i32 to vector<128x128xi32>
    %shift_right_logical3A_127 = arith.shrui %and3A_118, %shift_right_logical3A_126 : vector<128x128xi32>
    %mul3A_128 = arith.constant 2103 : i32
    %mul3A_129 = vector.broadcast %mul3A_128 : i32 to vector<128x128xi32>
    %mul3A_130 = arith.muli %and3A_124, %mul3A_129 : vector<128x128xi32>
    %and3A_131 = arith.constant 65535 : i32
    %and3A_132 = vector.broadcast %and3A_131 : i32 to vector<128x128xi32>
    %and3A_133 = arith.andi %mul3A_130, %and3A_132 : vector<128x128xi32>
    %shift_right_logical3A_134 = arith.constant 16 : i32
    %shift_right_logical3A_135 = vector.broadcast %shift_right_logical3A_134 : i32 to vector<128x128xi32>
    %shift_right_logical3A_136 = arith.shrui %mul3A_130, %shift_right_logical3A_135 : vector<128x128xi32>
    %mul3A_137 = arith.constant 54820 : i32
    %mul3A_138 = vector.broadcast %mul3A_137 : i32 to vector<128x128xi32>
    %mul3A_139 = arith.muli %and3A_133, %mul3A_138 : vector<128x128xi32>
    %mul3A_140 = arith.constant 21474 : i32
    %mul3A_141 = vector.broadcast %mul3A_140 : i32 to vector<128x128xi32>
    %mul3A_142 = arith.muli %and3A_133, %mul3A_141 : vector<128x128xi32>
    %mul3A_143 = arith.constant 54820 : i32
    %mul3A_144 = vector.broadcast %mul3A_143 : i32 to vector<128x128xi32>
    %mul3A_145 = arith.muli %shift_right_logical3A_136, %mul3A_144 : vector<128x128xi32>
    %mul3A_146 = arith.constant 21474 : i32
    %mul3A_147 = vector.broadcast %mul3A_146 : i32 to vector<128x128xi32>
    %mul3A_148 = arith.muli %shift_right_logical3A_136, %mul3A_147 : vector<128x128xi32>
    %shift_right_logical3A_149 = arith.constant 16 : i32
    %shift_right_logical3A_150 = vector.broadcast %shift_right_logical3A_149 : i32 to vector<128x128xi32>
    %shift_right_logical3A_151 = arith.shrui %mul3A_139, %shift_right_logical3A_150 : vector<128x128xi32>
    %add3A_152 = arith.addi %mul3A_145, %shift_right_logical3A_151 : vector<128x128xi32>
    %and3A_153 = arith.constant 65535 : i32
    %and3A_154 = vector.broadcast %and3A_153 : i32 to vector<128x128xi32>
    %and3A_155 = arith.andi %add3A_152, %and3A_154 : vector<128x128xi32>
    %add3A_156 = arith.addi %mul3A_142, %and3A_155 : vector<128x128xi32>
    %shift_right_logical3A_157 = arith.constant 16 : i32
    %shift_right_logical3A_158 = vector.broadcast %shift_right_logical3A_157 : i32 to vector<128x128xi32>
    %shift_right_logical3A_159 = arith.shrui %add3A_152, %shift_right_logical3A_158 : vector<128x128xi32>
    %add3A_160 = arith.addi %mul3A_148, %shift_right_logical3A_159 : vector<128x128xi32>
    %shift_right_logical3A_161 = arith.constant 16 : i32
    %shift_right_logical3A_162 = vector.broadcast %shift_right_logical3A_161 : i32 to vector<128x128xi32>
    %shift_right_logical3A_163 = arith.shrui %add3A_156, %shift_right_logical3A_162 : vector<128x128xi32>
    %add3A_164 = arith.addi %add3A_160, %shift_right_logical3A_163 : vector<128x128xi32>
    %shift_right_logical3A_165 = arith.constant 15 : i32
    %shift_right_logical3A_166 = vector.broadcast %shift_right_logical3A_165 : i32 to vector<128x128xi32>
    %shift_right_logical3A_167 = arith.shrui %add3A_164, %shift_right_logical3A_166 : vector<128x128xi32>
    %mul3A_168 = arith.constant 100000 : i32
    %mul3A_169 = vector.broadcast %mul3A_168 : i32 to vector<128x128xi32>
    %mul3A_170 = arith.muli %shift_right_logical3A_167, %mul3A_169 : vector<128x128xi32>
    %sub3A = arith.subi %mul3A_130, %mul3A_170 : vector<128x128xi32>
    %mul3A_171 = arith.constant 32 : i32
    %mul3A_172 = vector.broadcast %mul3A_171 : i32 to vector<128x128xi32>
    %mul3A_173 = arith.muli %sub3A, %mul3A_172 : vector<128x128xi32>
    %mul3A_174 = arith.constant 10656 : i32
    %mul3A_175 = vector.broadcast %mul3A_174 : i32 to vector<128x128xi32>
    %mul3A_176 = arith.muli %shift_right_logical3A_127, %mul3A_175 : vector<128x128xi32>
    %add3A_177 = arith.addi %mul3A_173, %mul3A_176 : vector<128x128xi32>
    %and3A_178 = arith.constant 65535 : i32
    %and3A_179 = vector.broadcast %and3A_178 : i32 to vector<128x128xi32>
    %and3A_180 = arith.andi %and3A_121, %and3A_179 : vector<128x128xi32>
    %shift_right_logical3A_181 = arith.constant 16 : i32
    %shift_right_logical3A_182 = vector.broadcast %shift_right_logical3A_181 : i32 to vector<128x128xi32>
    %shift_right_logical3A_183 = arith.shrui %and3A_121, %shift_right_logical3A_182 : vector<128x128xi32>
    %mul3A_184 = arith.constant 54820 : i32
    %mul3A_185 = vector.broadcast %mul3A_184 : i32 to vector<128x128xi32>
    %mul3A_186 = arith.muli %and3A_180, %mul3A_185 : vector<128x128xi32>
    %mul3A_187 = arith.constant 21474 : i32
    %mul3A_188 = vector.broadcast %mul3A_187 : i32 to vector<128x128xi32>
    %mul3A_189 = arith.muli %and3A_180, %mul3A_188 : vector<128x128xi32>
    %mul3A_190 = arith.constant 54820 : i32
    %mul3A_191 = vector.broadcast %mul3A_190 : i32 to vector<128x128xi32>
    %mul3A_192 = arith.muli %shift_right_logical3A_183, %mul3A_191 : vector<128x128xi32>
    %mul3A_193 = arith.constant 21474 : i32
    %mul3A_194 = vector.broadcast %mul3A_193 : i32 to vector<128x128xi32>
    %mul3A_195 = arith.muli %shift_right_logical3A_183, %mul3A_194 : vector<128x128xi32>
    %shift_right_logical3A_196 = arith.constant 16 : i32
    %shift_right_logical3A_197 = vector.broadcast %shift_right_logical3A_196 : i32 to vector<128x128xi32>
    %shift_right_logical3A_198 = arith.shrui %mul3A_186, %shift_right_logical3A_197 : vector<128x128xi32>
    %add3A_199 = arith.addi %mul3A_192, %shift_right_logical3A_198 : vector<128x128xi32>
    %and3A_200 = arith.constant 65535 : i32
    %and3A_201 = vector.broadcast %and3A_200 : i32 to vector<128x128xi32>
    %and3A_202 = arith.andi %add3A_199, %and3A_201 : vector<128x128xi32>
    %add3A_203 = arith.addi %mul3A_189, %and3A_202 : vector<128x128xi32>
    %shift_right_logical3A_204 = arith.constant 16 : i32
    %shift_right_logical3A_205 = vector.broadcast %shift_right_logical3A_204 : i32 to vector<128x128xi32>
    %shift_right_logical3A_206 = arith.shrui %add3A_199, %shift_right_logical3A_205 : vector<128x128xi32>
    %add3A_207 = arith.addi %mul3A_195, %shift_right_logical3A_206 : vector<128x128xi32>
    %shift_right_logical3A_208 = arith.constant 16 : i32
    %shift_right_logical3A_209 = vector.broadcast %shift_right_logical3A_208 : i32 to vector<128x128xi32>
    %shift_right_logical3A_210 = arith.shrui %add3A_203, %shift_right_logical3A_209 : vector<128x128xi32>
    %add3A_211 = arith.addi %add3A_207, %shift_right_logical3A_210 : vector<128x128xi32>
    %shift_right_logical3A_212 = arith.constant 15 : i32
    %shift_right_logical3A_213 = vector.broadcast %shift_right_logical3A_212 : i32 to vector<128x128xi32>
    %shift_right_logical3A_214 = arith.shrui %add3A_211, %shift_right_logical3A_213 : vector<128x128xi32>
    %mul3A_215 = arith.constant 100000 : i32
    %mul3A_216 = vector.broadcast %mul3A_215 : i32 to vector<128x128xi32>
    %mul3A_217 = arith.muli %shift_right_logical3A_214, %mul3A_216 : vector<128x128xi32>
    %sub3A_218 = arith.subi %and3A_121, %mul3A_217 : vector<128x128xi32>
    %add3A_219 = arith.addi %add3A_177, %sub3A_218 : vector<128x128xi32>
    %lt3A = arith.constant 0 : i32
    %lt3A_220 = vector.broadcast %lt3A : i32 to vector<128x128xi32>
    %lt3A_221 = arith.cmpi slt, %xor3A_115, %lt3A_220 : vector<128x128xi32>
    %jit3A = arith.constant 83648 : i32
    %jit3A_222 = arith.constant 0 : i32
    %broadcast_in_dim3A_223 = vector.broadcast %jit3A : i32 to vector<128x128xi32>
    %broadcast_in_dim3A_224 = vector.broadcast %jit3A_222 : i32 to vector<128x128xi32>
    %select_n3A = arith.select %lt3A_221, %broadcast_in_dim3A_223, %broadcast_in_dim3A_224 : vector<128x128xi1>, vector<128x128xi32>
    %add3A_225 = arith.addi %add3A_219, %select_n3A : vector<128x128xi32>
    %lt3A_226 = arith.constant 0 : i32
    %lt3A_227 = vector.broadcast %lt3A_226 : i32 to vector<128x128xi32>
    %lt3A_228 = arith.cmpi slt, %xor3A_114, %lt3A_227 : vector<128x128xi32>
    %jit3A_229 = arith.constant 75808 : i32
    %jit3A_230 = arith.constant 0 : i32
    %broadcast_in_dim3A_231 = vector.broadcast %jit3A_229 : i32 to vector<128x128xi32>
    %broadcast_in_dim3A_232 = vector.broadcast %jit3A_230 : i32 to vector<128x128xi32>
    %select_n3A_233 = arith.select %lt3A_228, %broadcast_in_dim3A_231, %broadcast_in_dim3A_232 : vector<128x128xi1>, vector<128x128xi32>
    %add3A_234 = arith.addi %add3A_225, %select_n3A_233 : vector<128x128xi32>
    %and3A_235 = arith.constant 65535 : i32
    %and3A_236 = vector.broadcast %and3A_235 : i32 to vector<128x128xi32>
    %and3A_237 = arith.andi %add3A_234, %and3A_236 : vector<128x128xi32>
    %shift_right_logical3A_238 = arith.constant 16 : i32
    %shift_right_logical3A_239 = vector.broadcast %shift_right_logical3A_238 : i32 to vector<128x128xi32>
    %shift_right_logical3A_240 = arith.shrui %add3A_234, %shift_right_logical3A_239 : vector<128x128xi32>
    %mul3A_241 = arith.constant 54820 : i32
    %mul3A_242 = vector.broadcast %mul3A_241 : i32 to vector<128x128xi32>
    %mul3A_243 = arith.muli %and3A_237, %mul3A_242 : vector<128x128xi32>
    %mul3A_244 = arith.constant 21474 : i32
    %mul3A_245 = vector.broadcast %mul3A_244 : i32 to vector<128x128xi32>
    %mul3A_246 = arith.muli %and3A_237, %mul3A_245 : vector<128x128xi32>
    %mul3A_247 = arith.constant 54820 : i32
    %mul3A_248 = vector.broadcast %mul3A_247 : i32 to vector<128x128xi32>
    %mul3A_249 = arith.muli %shift_right_logical3A_240, %mul3A_248 : vector<128x128xi32>
    %mul3A_250 = arith.constant 21474 : i32
    %mul3A_251 = vector.broadcast %mul3A_250 : i32 to vector<128x128xi32>
    %mul3A_252 = arith.muli %shift_right_logical3A_240, %mul3A_251 : vector<128x128xi32>
    %shift_right_logical3A_253 = arith.constant 16 : i32
    %shift_right_logical3A_254 = vector.broadcast %shift_right_logical3A_253 : i32 to vector<128x128xi32>
    %shift_right_logical3A_255 = arith.shrui %mul3A_243, %shift_right_logical3A_254 : vector<128x128xi32>
    %add3A_256 = arith.addi %mul3A_249, %shift_right_logical3A_255 : vector<128x128xi32>
    %and3A_257 = arith.constant 65535 : i32
    %and3A_258 = vector.broadcast %and3A_257 : i32 to vector<128x128xi32>
    %and3A_259 = arith.andi %add3A_256, %and3A_258 : vector<128x128xi32>
    %add3A_260 = arith.addi %mul3A_246, %and3A_259 : vector<128x128xi32>
    %shift_right_logical3A_261 = arith.constant 16 : i32
    %shift_right_logical3A_262 = vector.broadcast %shift_right_logical3A_261 : i32 to vector<128x128xi32>
    %shift_right_logical3A_263 = arith.shrui %add3A_256, %shift_right_logical3A_262 : vector<128x128xi32>
    %add3A_264 = arith.addi %mul3A_252, %shift_right_logical3A_263 : vector<128x128xi32>
    %shift_right_logical3A_265 = arith.constant 16 : i32
    %shift_right_logical3A_266 = vector.broadcast %shift_right_logical3A_265 : i32 to vector<128x128xi32>
    %shift_right_logical3A_267 = arith.shrui %add3A_260, %shift_right_logical3A_266 : vector<128x128xi32>
    %add3A_268 = arith.addi %add3A_264, %shift_right_logical3A_267 : vector<128x128xi32>
    %shift_right_logical3A_269 = arith.constant 15 : i32
    %shift_right_logical3A_270 = vector.broadcast %shift_right_logical3A_269 : i32 to vector<128x128xi32>
    %shift_right_logical3A_271 = arith.shrui %add3A_268, %shift_right_logical3A_270 : vector<128x128xi32>
    %mul3A_272 = arith.constant 100000 : i32
    %mul3A_273 = vector.broadcast %mul3A_272 : i32 to vector<128x128xi32>
    %mul3A_274 = arith.muli %shift_right_logical3A_271, %mul3A_273 : vector<128x128xi32>
    %sub3A_275 = arith.subi %add3A_234, %mul3A_274 : vector<128x128xi32>
    %swap3A = arith.constant 0 : index
    %swap3A_276 = arith.constant 0 : index
    %swap3A_277 = arith.constant 0 : index
    %swap3A_278 = vector.load %arg2[%swap3A, %swap3A_276, %swap3A_277] : memref<4x128x128xi32, #tpu.memory_space<vmem>>, vector<1x128x128xi32>
    %swap3A_279 = vector.shape_cast %swap3A_278 : vector<1x128x128xi32> to vector<128x128xi32>
    %swap3A_280 = vector.shape_cast %sub3A_275 : vector<128x128xi32> to vector<1x128x128xi32>
    tpu.vector_store %arg2[%swap3A, %swap3A_276, %swap3A_277], %swap3A_280 {strides = array<i32>} : memref<4x128x128xi32, #tpu.memory_space<vmem>>, vector<1x128x128xi32>,
    %add3A_281 = arith.constant 1 : i32
    %add3A_282 = vector.broadcast %add3A_281 : i32 to vector<128x128xi32>
    %add3A_283 = arith.addi %get3A_1, %add3A_282 : vector<128x128xi32>
    %shift_right_logical3A_284 = arith.constant 16 : i32
    %shift_right_logical3A_285 = vector.broadcast %shift_right_logical3A_284 : i32 to vector<128x128xi32>
    %shift_right_logical3A_286 = arith.shrui %add3A_283, %shift_right_logical3A_285 : vector<128x128xi32>
    %xor3A_287 = arith.xori %shift_right_logical3A_286, %add3A_283 : vector<128x128xi32>
    %broadcast_in_dim3A_288 = arith.constant 0 : i32
    %broadcast_in_dim3A_289 = vector.broadcast %broadcast_in_dim3A_288 : i32 to vector<128x128xi32>
    %and3A_290 = arith.constant 65535 : i32
    %and3A_291 = vector.broadcast %and3A_290 : i32 to vector<128x128xi32>
    %and3A_292 = arith.andi %xor3A_287, %and3A_291 : vector<128x128xi32>
    %shift_right_logical3A_293 = arith.constant 16 : i32
    %shift_right_logical3A_294 = vector.broadcast %shift_right_logical3A_293 : i32 to vector<128x128xi32>
    %shift_right_logical3A_295 = arith.shrui %xor3A_287, %shift_right_logical3A_294 : vector<128x128xi32>
    %mul3A_296 = arith.constant 40763 : i32
    %mul3A_297 = vector.broadcast %mul3A_296 : i32 to vector<128x128xi32>
    %mul3A_298 = arith.muli %and3A_292, %mul3A_297 : vector<128x128xi32>
    %mul3A_299 = arith.constant 1117 : i32
    %mul3A_300 = vector.broadcast %mul3A_299 : i32 to vector<128x128xi32>
    %mul3A_301 = arith.muli %and3A_292, %mul3A_300 : vector<128x128xi32>
    %mul3A_302 = arith.constant 40763 : i32
    %mul3A_303 = vector.broadcast %mul3A_302 : i32 to vector<128x128xi32>
    %mul3A_304 = arith.muli %shift_right_logical3A_295, %mul3A_303 : vector<128x128xi32>
    %mul3A_305 = arith.constant 1117 : i32
    %mul3A_306 = vector.broadcast %mul3A_305 : i32 to vector<128x128xi32>
    %mul3A_307 = arith.muli %shift_right_logical3A_295, %mul3A_306 : vector<128x128xi32>
    %shift_right_logical3A_308 = arith.constant 16 : i32
    %shift_right_logical3A_309 = vector.broadcast %shift_right_logical3A_308 : i32 to vector<128x128xi32>
    %shift_right_logical3A_310 = arith.shrui %mul3A_298, %shift_right_logical3A_309 : vector<128x128xi32>
    %add3A_311 = arith.addi %mul3A_304, %shift_right_logical3A_310 : vector<128x128xi32>
    %and3A_312 = arith.constant 65535 : i32
    %and3A_313 = vector.broadcast %and3A_312 : i32 to vector<128x128xi32>
    %and3A_314 = arith.andi %add3A_311, %and3A_313 : vector<128x128xi32>
    %add3A_315 = arith.addi %mul3A_301, %and3A_314 : vector<128x128xi32>
    %shift_left3A_316 = arith.constant 16 : i32
    %shift_left3A_317 = vector.broadcast %shift_left3A_316 : i32 to vector<128x128xi32>
    %shift_left3A_318 = arith.shli %add3A_315, %shift_left3A_317 : vector<128x128xi32>
    %and3A_319 = arith.constant 65535 : i32
    %and3A_320 = vector.broadcast %and3A_319 : i32 to vector<128x128xi32>
    %and3A_321 = arith.andi %mul3A_298, %and3A_320 : vector<128x128xi32>
    %or3A_322 = arith.ori %shift_left3A_318, %and3A_321 : vector<128x128xi32>
    %shift_right_logical3A_323 = arith.constant 16 : i32
    %shift_right_logical3A_324 = vector.broadcast %shift_right_logical3A_323 : i32 to vector<128x128xi32>
    %shift_right_logical3A_325 = arith.shrui %add3A_311, %shift_right_logical3A_324 : vector<128x128xi32>
    %add3A_326 = arith.addi %mul3A_307, %shift_right_logical3A_325 : vector<128x128xi32>
    %shift_right_logical3A_327 = arith.constant 16 : i32
    %shift_right_logical3A_328 = vector.broadcast %shift_right_logical3A_327 : i32 to vector<128x128xi32>
    %shift_right_logical3A_329 = arith.shrui %add3A_315, %shift_right_logical3A_328 : vector<128x128xi32>
    %add3A_330 = arith.addi %add3A_326, %shift_right_logical3A_329 : vector<128x128xi32>
    %mul3A_331 = arith.constant 73244475 : i32
    %mul3A_332 = vector.broadcast %mul3A_331 : i32 to vector<128x128xi32>
    %mul3A_333 = arith.muli %broadcast_in_dim3A_289, %mul3A_332 : vector<128x128xi32>
    %add3A_334 = arith.addi %mul3A_333, %add3A_330 : vector<128x128xi32>
    %shift_right_logical3A_335 = arith.constant 16 : i32
    %shift_right_logical3A_336 = vector.broadcast %shift_right_logical3A_335 : i32 to vector<128x128xi32>
    %shift_right_logical3A_337 = arith.shrui %or3A_322, %shift_right_logical3A_336 : vector<128x128xi32>
    %shift_left3A_338 = arith.constant 16 : i32
    %shift_left3A_339 = vector.broadcast %shift_left3A_338 : i32 to vector<128x128xi32>
    %shift_left3A_340 = arith.shli %add3A_334, %shift_left3A_339 : vector<128x128xi32>
    %or3A_341 = arith.ori %shift_right_logical3A_337, %shift_left3A_340 : vector<128x128xi32>
    %shift_right_arithmetic3A_342 = arith.constant 16 : i32
    %shift_right_arithmetic3A_343 = vector.broadcast %shift_right_arithmetic3A_342 : i32 to vector<128x128xi32>
    %shift_right_arithmetic3A_344 = arith.shrsi %add3A_334, %shift_right_arithmetic3A_343 : vector<128x128xi32>
    %xor3A_345 = arith.xori %shift_right_arithmetic3A_344, %add3A_334 : vector<128x128xi32>
    %xor3A_346 = arith.xori %or3A_341, %or3A_322 : vector<128x128xi32>
    %and3A_347 = arith.constant 65535 : i32
    %and3A_348 = vector.broadcast %and3A_347 : i32 to vector<128x128xi32>
    %and3A_349 = arith.andi %xor3A_346, %and3A_348 : vector<128x128xi32>
    %shift_right_logical3A_350 = arith.constant 16 : i32
    %shift_right_logical3A_351 = vector.broadcast %shift_right_logical3A_350 : i32 to vector<128x128xi32>
    %shift_right_logical3A_352 = arith.shrui %xor3A_346, %shift_right_logical3A_351 : vector<128x128xi32>
    %mul3A_353 = arith.constant 40763 : i32
    %mul3A_354 = vector.broadcast %mul3A_353 : i32 to vector<128x128xi32>
    %mul3A_355 = arith.muli %and3A_349, %mul3A_354 : vector<128x128xi32>
    %mul3A_356 = arith.constant 1117 : i32
    %mul3A_357 = vector.broadcast %mul3A_356 : i32 to vector<128x128xi32>
    %mul3A_358 = arith.muli %and3A_349, %mul3A_357 : vector<128x128xi32>
    %mul3A_359 = arith.constant 40763 : i32
    %mul3A_360 = vector.broadcast %mul3A_359 : i32 to vector<128x128xi32>
    %mul3A_361 = arith.muli %shift_right_logical3A_352, %mul3A_360 : vector<128x128xi32>
    %mul3A_362 = arith.constant 1117 : i32
    %mul3A_363 = vector.broadcast %mul3A_362 : i32 to vector<128x128xi32>
    %mul3A_364 = arith.muli %shift_right_logical3A_352, %mul3A_363 : vector<128x128xi32>
    %shift_right_logical3A_365 = arith.constant 16 : i32
    %shift_right_logical3A_366 = vector.broadcast %shift_right_logical3A_365 : i32 to vector<128x128xi32>
    %shift_right_logical3A_367 = arith.shrui %mul3A_355, %shift_right_logical3A_366 : vector<128x128xi32>
    %add3A_368 = arith.addi %mul3A_361, %shift_right_logical3A_367 : vector<128x128xi32>
    %and3A_369 = arith.constant 65535 : i32
    %and3A_370 = vector.broadcast %and3A_369 : i32 to vector<128x128xi32>
    %and3A_371 = arith.andi %add3A_368, %and3A_370 : vector<128x128xi32>
    %add3A_372 = arith.addi %mul3A_358, %and3A_371 : vector<128x128xi32>
    %shift_left3A_373 = arith.constant 16 : i32
    %shift_left3A_374 = vector.broadcast %shift_left3A_373 : i32 to vector<128x128xi32>
    %shift_left3A_375 = arith.shli %add3A_372, %shift_left3A_374 : vector<128x128xi32>
    %and3A_376 = arith.constant 65535 : i32
    %and3A_377 = vector.broadcast %and3A_376 : i32 to vector<128x128xi32>
    %and3A_378 = arith.andi %mul3A_355, %and3A_377 : vector<128x128xi32>
    %or3A_379 = arith.ori %shift_left3A_375, %and3A_378 : vector<128x128xi32>
    %shift_right_logical3A_380 = arith.constant 16 : i32
    %shift_right_logical3A_381 = vector.broadcast %shift_right_logical3A_380 : i32 to vector<128x128xi32>
    %shift_right_logical3A_382 = arith.shrui %add3A_368, %shift_right_logical3A_381 : vector<128x128xi32>
    %add3A_383 = arith.addi %mul3A_364, %shift_right_logical3A_382 : vector<128x128xi32>
    %shift_right_logical3A_384 = arith.constant 16 : i32
    %shift_right_logical3A_385 = vector.broadcast %shift_right_logical3A_384 : i32 to vector<128x128xi32>
    %shift_right_logical3A_386 = arith.shrui %add3A_372, %shift_right_logical3A_385 : vector<128x128xi32>
    %add3A_387 = arith.addi %add3A_383, %shift_right_logical3A_386 : vector<128x128xi32>
    %mul3A_388 = arith.constant 73244475 : i32
    %mul3A_389 = vector.broadcast %mul3A_388 : i32 to vector<128x128xi32>
    %mul3A_390 = arith.muli %xor3A_345, %mul3A_389 : vector<128x128xi32>
    %add3A_391 = arith.addi %mul3A_390, %add3A_387 : vector<128x128xi32>
    %shift_right_logical3A_392 = arith.constant 16 : i32
    %shift_right_logical3A_393 = vector.broadcast %shift_right_logical3A_392 : i32 to vector<128x128xi32>
    %shift_right_logical3A_394 = arith.shrui %or3A_379, %shift_right_logical3A_393 : vector<128x128xi32>
    %shift_left3A_395 = arith.constant 16 : i32
    %shift_left3A_396 = vector.broadcast %shift_left3A_395 : i32 to vector<128x128xi32>
    %shift_left3A_397 = arith.shli %add3A_391, %shift_left3A_396 : vector<128x128xi32>
    %or3A_398 = arith.ori %shift_right_logical3A_394, %shift_left3A_397 : vector<128x128xi32>
    %shift_right_arithmetic3A_399 = arith.constant 16 : i32
    %shift_right_arithmetic3A_400 = vector.broadcast %shift_right_arithmetic3A_399 : i32 to vector<128x128xi32>
    %shift_right_arithmetic3A_401 = arith.shrsi %add3A_391, %shift_right_arithmetic3A_400 : vector<128x128xi32>
    %xor3A_402 = arith.xori %shift_right_arithmetic3A_401, %add3A_391 : vector<128x128xi32>
    %xor3A_403 = arith.xori %or3A_398, %or3A_379 : vector<128x128xi32>
    %and3A_404 = arith.constant 2147483647 : i32
    %and3A_405 = vector.broadcast %and3A_404 : i32 to vector<128x128xi32>
    %and3A_406 = arith.andi %xor3A_402, %and3A_405 : vector<128x128xi32>
    %and3A_407 = arith.constant 2147483647 : i32
    %and3A_408 = vector.broadcast %and3A_407 : i32 to vector<128x128xi32>
    %and3A_409 = arith.andi %xor3A_403, %and3A_408 : vector<128x128xi32>
    %and3A_410 = arith.constant 65535 : i32
    %and3A_411 = vector.broadcast %and3A_410 : i32 to vector<128x128xi32>
    %and3A_412 = arith.andi %and3A_406, %and3A_411 : vector<128x128xi32>
    %shift_right_logical3A_413 = arith.constant 16 : i32
    %shift_right_logical3A_414 = vector.broadcast %shift_right_logical3A_413 : i32 to vector<128x128xi32>
    %shift_right_logical3A_415 = arith.shrui %and3A_406, %shift_right_logical3A_414 : vector<128x128xi32>
    %mul3A_416 = arith.constant 2103 : i32
    %mul3A_417 = vector.broadcast %mul3A_416 : i32 to vector<128x128xi32>
    %mul3A_418 = arith.muli %and3A_412, %mul3A_417 : vector<128x128xi32>
    %and3A_419 = arith.constant 65535 : i32
    %and3A_420 = vector.broadcast %and3A_419 : i32 to vector<128x128xi32>
    %and3A_421 = arith.andi %mul3A_418, %and3A_420 : vector<128x128xi32>
    %shift_right_logical3A_422 = arith.constant 16 : i32
    %shift_right_logical3A_423 = vector.broadcast %shift_right_logical3A_422 : i32 to vector<128x128xi32>
    %shift_right_logical3A_424 = arith.shrui %mul3A_418, %shift_right_logical3A_423 : vector<128x128xi32>
    %mul3A_425 = arith.constant 54820 : i32
    %mul3A_426 = vector.broadcast %mul3A_425 : i32 to vector<128x128xi32>
    %mul3A_427 = arith.muli %and3A_421, %mul3A_426 : vector<128x128xi32>
    %mul3A_428 = arith.constant 21474 : i32
    %mul3A_429 = vector.broadcast %mul3A_428 : i32 to vector<128x128xi32>
    %mul3A_430 = arith.muli %and3A_421, %mul3A_429 : vector<128x128xi32>
    %mul3A_431 = arith.constant 54820 : i32
    %mul3A_432 = vector.broadcast %mul3A_431 : i32 to vector<128x128xi32>
    %mul3A_433 = arith.muli %shift_right_logical3A_424, %mul3A_432 : vector<128x128xi32>
    %mul3A_434 = arith.constant 21474 : i32
    %mul3A_435 = vector.broadcast %mul3A_434 : i32 to vector<128x128xi32>
    %mul3A_436 = arith.muli %shift_right_logical3A_424, %mul3A_435 : vector<128x128xi32>
    %shift_right_logical3A_437 = arith.constant 16 : i32
    %shift_right_logical3A_438 = vector.broadcast %shift_right_logical3A_437 : i32 to vector<128x128xi32>
    %shift_right_logical3A_439 = arith.shrui %mul3A_427, %shift_right_logical3A_438 : vector<128x128xi32>
    %add3A_440 = arith.addi %mul3A_433, %shift_right_logical3A_439 : vector<128x128xi32>
    %and3A_441 = arith.constant 65535 : i32
    %and3A_442 = vector.broadcast %and3A_441 : i32 to vector<128x128xi32>
    %and3A_443 = arith.andi %add3A_440, %and3A_442 : vector<128x128xi32>
    %add3A_444 = arith.addi %mul3A_430, %and3A_443 : vector<128x128xi32>
    %shift_right_logical3A_445 = arith.constant 16 : i32
    %shift_right_logical3A_446 = vector.broadcast %shift_right_logical3A_445 : i32 to vector<128x128xi32>
    %shift_right_logical3A_447 = arith.shrui %add3A_440, %shift_right_logical3A_446 : vector<128x128xi32>
    %add3A_448 = arith.addi %mul3A_436, %shift_right_logical3A_447 : vector<128x128xi32>
    %shift_right_logical3A_449 = arith.constant 16 : i32
    %shift_right_logical3A_450 = vector.broadcast %shift_right_logical3A_449 : i32 to vector<128x128xi32>
    %shift_right_logical3A_451 = arith.shrui %add3A_444, %shift_right_logical3A_450 : vector<128x128xi32>
    %add3A_452 = arith.addi %add3A_448, %shift_right_logical3A_451 : vector<128x128xi32>
    %shift_right_logical3A_453 = arith.constant 15 : i32
    %shift_right_logical3A_454 = vector.broadcast %shift_right_logical3A_453 : i32 to vector<128x128xi32>
    %shift_right_logical3A_455 = arith.shrui %add3A_452, %shift_right_logical3A_454 : vector<128x128xi32>
    %mul3A_456 = arith.constant 100000 : i32
    %mul3A_457 = vector.broadcast %mul3A_456 : i32 to vector<128x128xi32>
    %mul3A_458 = arith.muli %shift_right_logical3A_455, %mul3A_457 : vector<128x128xi32>
    %sub3A_459 = arith.subi %mul3A_418, %mul3A_458 : vector<128x128xi32>
    %mul3A_460 = arith.constant 32 : i32
    %mul3A_461 = vector.broadcast %mul3A_460 : i32 to vector<128x128xi32>
    %mul3A_462 = arith.muli %sub3A_459, %mul3A_461 : vector<128x128xi32>
    %mul3A_463 = arith.constant 10656 : i32
    %mul3A_464 = vector.broadcast %mul3A_463 : i32 to vector<128x128xi32>
    %mul3A_465 = arith.muli %shift_right_logical3A_415, %mul3A_464 : vector<128x128xi32>
    %add3A_466 = arith.addi %mul3A_462, %mul3A_465 : vector<128x128xi32>
    %and3A_467 = arith.constant 65535 : i32
    %and3A_468 = vector.broadcast %and3A_467 : i32 to vector<128x128xi32>
    %and3A_469 = arith.andi %and3A_409, %and3A_468 : vector<128x128xi32>
    %shift_right_logical3A_470 = arith.constant 16 : i32
    %shift_right_logical3A_471 = vector.broadcast %shift_right_logical3A_470 : i32 to vector<128x128xi32>
    %shift_right_logical3A_472 = arith.shrui %and3A_409, %shift_right_logical3A_471 : vector<128x128xi32>
    %mul3A_473 = arith.constant 54820 : i32
    %mul3A_474 = vector.broadcast %mul3A_473 : i32 to vector<128x128xi32>
    %mul3A_475 = arith.muli %and3A_469, %mul3A_474 : vector<128x128xi32>
    %mul3A_476 = arith.constant 21474 : i32
    %mul3A_477 = vector.broadcast %mul3A_476 : i32 to vector<128x128xi32>
    %mul3A_478 = arith.muli %and3A_469, %mul3A_477 : vector<128x128xi32>
    %mul3A_479 = arith.constant 54820 : i32
    %mul3A_480 = vector.broadcast %mul3A_479 : i32 to vector<128x128xi32>
    %mul3A_481 = arith.muli %shift_right_logical3A_472, %mul3A_480 : vector<128x128xi32>
    %mul3A_482 = arith.constant 21474 : i32
    %mul3A_483 = vector.broadcast %mul3A_482 : i32 to vector<128x128xi32>
    %mul3A_484 = arith.muli %shift_right_logical3A_472, %mul3A_483 : vector<128x128xi32>
    %shift_right_logical3A_485 = arith.constant 16 : i32
    %shift_right_logical3A_486 = vector.broadcast %shift_right_logical3A_485 : i32 to vector<128x128xi32>
    %shift_right_logical3A_487 = arith.shrui %mul3A_475, %shift_right_logical3A_486 : vector<128x128xi32>
    %add3A_488 = arith.addi %mul3A_481, %shift_right_logical3A_487 : vector<128x128xi32>
    %and3A_489 = arith.constant 65535 : i32
    %and3A_490 = vector.broadcast %and3A_489 : i32 to vector<128x128xi32>
    %and3A_491 = arith.andi %add3A_488, %and3A_490 : vector<128x128xi32>
    %add3A_492 = arith.addi %mul3A_478, %and3A_491 : vector<128x128xi32>
    %shift_right_logical3A_493 = arith.constant 16 : i32
    %shift_right_logical3A_494 = vector.broadcast %shift_right_logical3A_493 : i32 to vector<128x128xi32>
    %shift_right_logical3A_495 = arith.shrui %add3A_488, %shift_right_logical3A_494 : vector<128x128xi32>
    %add3A_496 = arith.addi %mul3A_484, %shift_right_logical3A_495 : vector<128x128xi32>
    %shift_right_logical3A_497 = arith.constant 16 : i32
    %shift_right_logical3A_498 = vector.broadcast %shift_right_logical3A_497 : i32 to vector<128x128xi32>
    %shift_right_logical3A_499 = arith.shrui %add3A_492, %shift_right_logical3A_498 : vector<128x128xi32>
    %add3A_500 = arith.addi %add3A_496, %shift_right_logical3A_499 : vector<128x128xi32>
    %shift_right_logical3A_501 = arith.constant 15 : i32
    %shift_right_logical3A_502 = vector.broadcast %shift_right_logical3A_501 : i32 to vector<128x128xi32>
    %shift_right_logical3A_503 = arith.shrui %add3A_500, %shift_right_logical3A_502 : vector<128x128xi32>
    %mul3A_504 = arith.constant 100000 : i32
    %mul3A_505 = vector.broadcast %mul3A_504 : i32 to vector<128x128xi32>
    %mul3A_506 = arith.muli %shift_right_logical3A_503, %mul3A_505 : vector<128x128xi32>
    %sub3A_507 = arith.subi %and3A_409, %mul3A_506 : vector<128x128xi32>
    %add3A_508 = arith.addi %add3A_466, %sub3A_507 : vector<128x128xi32>
    %lt3A_509 = arith.constant 0 : i32
    %lt3A_510 = vector.broadcast %lt3A_509 : i32 to vector<128x128xi32>
    %lt3A_511 = arith.cmpi slt, %xor3A_403, %lt3A_510 : vector<128x128xi32>
    %jit3A_512 = arith.constant 83648 : i32
    %jit3A_513 = arith.constant 0 : i32
    %broadcast_in_dim3A_514 = vector.broadcast %jit3A_512 : i32 to vector<128x128xi32>
    %broadcast_in_dim3A_515 = vector.broadcast %jit3A_513 : i32 to vector<128x128xi32>
    %select_n3A_516 = arith.select %lt3A_511, %broadcast_in_dim3A_514, %broadcast_in_dim3A_515 : vector<128x128xi1>, vector<128x128xi32>
    %add3A_517 = arith.addi %add3A_508, %select_n3A_516 : vector<128x128xi32>
    %lt3A_518 = arith.constant 0 : i32
    %lt3A_519 = vector.broadcast %lt3A_518 : i32 to vector<128x128xi32>
    %lt3A_520 = arith.cmpi slt, %xor3A_402, %lt3A_519 : vector<128x128xi32>
    %jit3A_521 = arith.constant 75808 : i32
    %jit3A_522 = arith.constant 0 : i32
    %broadcast_in_dim3A_523 = vector.broadcast %jit3A_521 : i32 to vector<128x128xi32>
    %broadcast_in_dim3A_524 = vector.broadcast %jit3A_522 : i32 to vector<128x128xi32>
    %select_n3A_525 = arith.select %lt3A_520, %broadcast_in_dim3A_523, %broadcast_in_dim3A_524 : vector<128x128xi1>, vector<128x128xi32>
    %add3A_526 = arith.addi %add3A_517, %select_n3A_525 : vector<128x128xi32>
    %and3A_527 = arith.constant 65535 : i32
    %and3A_528 = vector.broadcast %and3A_527 : i32 to vector<128x128xi32>
    %and3A_529 = arith.andi %add3A_526, %and3A_528 : vector<128x128xi32>
    %shift_right_logical3A_530 = arith.constant 16 : i32
    %shift_right_logical3A_531 = vector.broadcast %shift_right_logical3A_530 : i32 to vector<128x128xi32>
    %shift_right_logical3A_532 = arith.shrui %add3A_526, %shift_right_logical3A_531 : vector<128x128xi32>
    %mul3A_533 = arith.constant 54820 : i32
    %mul3A_534 = vector.broadcast %mul3A_533 : i32 to vector<128x128xi32>
    %mul3A_535 = arith.muli %and3A_529, %mul3A_534 : vector<128x128xi32>
    %mul3A_536 = arith.constant 21474 : i32
    %mul3A_537 = vector.broadcast %mul3A_536 : i32 to vector<128x128xi32>
    %mul3A_538 = arith.muli %and3A_529, %mul3A_537 : vector<128x128xi32>
    %mul3A_539 = arith.constant 54820 : i32
    %mul3A_540 = vector.broadcast %mul3A_539 : i32 to vector<128x128xi32>
    %mul3A_541 = arith.muli %shift_right_logical3A_532, %mul3A_540 : vector<128x128xi32>
    %mul3A_542 = arith.constant 21474 : i32
    %mul3A_543 = vector.broadcast %mul3A_542 : i32 to vector<128x128xi32>
    %mul3A_544 = arith.muli %shift_right_logical3A_532, %mul3A_543 : vector<128x128xi32>
    %shift_right_logical3A_545 = arith.constant 16 : i32
    %shift_right_logical3A_546 = vector.broadcast %shift_right_logical3A_545 : i32 to vector<128x128xi32>
    %shift_right_logical3A_547 = arith.shrui %mul3A_535, %shift_right_logical3A_546 : vector<128x128xi32>
    %add3A_548 = arith.addi %mul3A_541, %shift_right_logical3A_547 : vector<128x128xi32>
    %and3A_549 = arith.constant 65535 : i32
    %and3A_550 = vector.broadcast %and3A_549 : i32 to vector<128x128xi32>
    %and3A_551 = arith.andi %add3A_548, %and3A_550 : vector<128x128xi32>
    %add3A_552 = arith.addi %mul3A_538, %and3A_551 : vector<128x128xi32>
    %shift_right_logical3A_553 = arith.constant 16 : i32
    %shift_right_logical3A_554 = vector.broadcast %shift_right_logical3A_553 : i32 to vector<128x128xi32>
    %shift_right_logical3A_555 = arith.shrui %add3A_548, %shift_right_logical3A_554 : vector<128x128xi32>
    %add3A_556 = arith.addi %mul3A_544, %shift_right_logical3A_555 : vector<128x128xi32>
    %shift_right_logical3A_557 = arith.constant 16 : i32
    %shift_right_logical3A_558 = vector.broadcast %shift_right_logical3A_557 : i32 to vector<128x128xi32>
    %shift_right_logical3A_559 = arith.shrui %add3A_552, %shift_right_logical3A_558 : vector<128x128xi32>
    %add3A_560 = arith.addi %add3A_556, %shift_right_logical3A_559 : vector<128x128xi32>
    %shift_right_logical3A_561 = arith.constant 15 : i32
    %shift_right_logical3A_562 = vector.broadcast %shift_right_logical3A_561 : i32 to vector<128x128xi32>
    %shift_right_logical3A_563 = arith.shrui %add3A_560, %shift_right_logical3A_562 : vector<128x128xi32>
    %mul3A_564 = arith.constant 100000 : i32
    %mul3A_565 = vector.broadcast %mul3A_564 : i32 to vector<128x128xi32>
    %mul3A_566 = arith.muli %shift_right_logical3A_563, %mul3A_565 : vector<128x128xi32>
    %sub3A_567 = arith.subi %add3A_526, %mul3A_566 : vector<128x128xi32>
    %swap3A_568 = arith.constant 1 : index
    %swap3A_569 = arith.constant 0 : index
    %swap3A_570 = arith.constant 0 : index
    %swap3A_571 = vector.load %arg2[%swap3A_568, %swap3A_569, %swap3A_570] : memref<4x128x128xi32, #tpu.memory_space<vmem>>, vector<1x128x128xi32>
    %swap3A_572 = vector.shape_cast %swap3A_571 : vector<1x128x128xi32> to vector<128x128xi32>
    %swap3A_573 = vector.shape_cast %sub3A_567 : vector<128x128xi32> to vector<1x128x128xi32>
    tpu.vector_store %arg2[%swap3A_568, %swap3A_569, %swap3A_570], %swap3A_573 {strides = array<i32>} : memref<4x128x128xi32, #tpu.memory_space<vmem>>, vector<1x128x128xi32>,
    %add3A_574 = arith.constant 2 : i32
    %add3A_575 = vector.broadcast %add3A_574 : i32 to vector<128x128xi32>
    %add3A_576 = arith.addi %get3A_1, %add3A_575 : vector<128x128xi32>
    %shift_right_logical3A_577 = arith.constant 16 : i32
    %shift_right_logical3A_578 = vector.broadcast %shift_right_logical3A_577 : i32 to vector<128x128xi32>
    %shift_right_logical3A_579 = arith.shrui %add3A_576, %shift_right_logical3A_578 : vector<128x128xi32>
    %xor3A_580 = arith.xori %shift_right_logical3A_579, %add3A_576 : vector<128x128xi32>
    %broadcast_in_dim3A_581 = arith.constant 0 : i32
    %broadcast_in_dim3A_582 = vector.broadcast %broadcast_in_dim3A_581 : i32 to vector<128x128xi32>
    %and3A_583 = arith.constant 65535 : i32
    %and3A_584 = vector.broadcast %and3A_583 : i32 to vector<128x128xi32>
    %and3A_585 = arith.andi %xor3A_580, %and3A_584 : vector<128x128xi32>
    %shift_right_logical3A_586 = arith.constant 16 : i32
    %shift_right_logical3A_587 = vector.broadcast %shift_right_logical3A_586 : i32 to vector<128x128xi32>
    %shift_right_logical3A_588 = arith.shrui %xor3A_580, %shift_right_logical3A_587 : vector<128x128xi32>
    %mul3A_589 = arith.constant 40763 : i32
    %mul3A_590 = vector.broadcast %mul3A_589 : i32 to vector<128x128xi32>
    %mul3A_591 = arith.muli %and3A_585, %mul3A_590 : vector<128x128xi32>
    %mul3A_592 = arith.constant 1117 : i32
    %mul3A_593 = vector.broadcast %mul3A_592 : i32 to vector<128x128xi32>
    %mul3A_594 = arith.muli %and3A_585, %mul3A_593 : vector<128x128xi32>
    %mul3A_595 = arith.constant 40763 : i32
    %mul3A_596 = vector.broadcast %mul3A_595 : i32 to vector<128x128xi32>
    %mul3A_597 = arith.muli %shift_right_logical3A_588, %mul3A_596 : vector<128x128xi32>
    %mul3A_598 = arith.constant 1117 : i32
    %mul3A_599 = vector.broadcast %mul3A_598 : i32 to vector<128x128xi32>
    %mul3A_600 = arith.muli %shift_right_logical3A_588, %mul3A_599 : vector<128x128xi32>
    %shift_right_logical3A_601 = arith.constant 16 : i32
    %shift_right_logical3A_602 = vector.broadcast %shift_right_logical3A_601 : i32 to vector<128x128xi32>
    %shift_right_logical3A_603 = arith.shrui %mul3A_591, %shift_right_logical3A_602 : vector<128x128xi32>
    %add3A_604 = arith.addi %mul3A_597, %shift_right_logical3A_603 : vector<128x128xi32>
    %and3A_605 = arith.constant 65535 : i32
    %and3A_606 = vector.broadcast %and3A_605 : i32 to vector<128x128xi32>
    %and3A_607 = arith.andi %add3A_604, %and3A_606 : vector<128x128xi32>
    %add3A_608 = arith.addi %mul3A_594, %and3A_607 : vector<128x128xi32>
    %shift_left3A_609 = arith.constant 16 : i32
    %shift_left3A_610 = vector.broadcast %shift_left3A_609 : i32 to vector<128x128xi32>
    %shift_left3A_611 = arith.shli %add3A_608, %shift_left3A_610 : vector<128x128xi32>
    %and3A_612 = arith.constant 65535 : i32
    %and3A_613 = vector.broadcast %and3A_612 : i32 to vector<128x128xi32>
    %and3A_614 = arith.andi %mul3A_591, %and3A_613 : vector<128x128xi32>
    %or3A_615 = arith.ori %shift_left3A_611, %and3A_614 : vector<128x128xi32>
    %shift_right_logical3A_616 = arith.constant 16 : i32
    %shift_right_logical3A_617 = vector.broadcast %shift_right_logical3A_616 : i32 to vector<128x128xi32>
    %shift_right_logical3A_618 = arith.shrui %add3A_604, %shift_right_logical3A_617 : vector<128x128xi32>
    %add3A_619 = arith.addi %mul3A_600, %shift_right_logical3A_618 : vector<128x128xi32>
    %shift_right_logical3A_620 = arith.constant 16 : i32
    %shift_right_logical3A_621 = vector.broadcast %shift_right_logical3A_620 : i32 to vector<128x128xi32>
    %shift_right_logical3A_622 = arith.shrui %add3A_608, %shift_right_logical3A_621 : vector<128x128xi32>
    %add3A_623 = arith.addi %add3A_619, %shift_right_logical3A_622 : vector<128x128xi32>
    %mul3A_624 = arith.constant 73244475 : i32
    %mul3A_625 = vector.broadcast %mul3A_624 : i32 to vector<128x128xi32>
    %mul3A_626 = arith.muli %broadcast_in_dim3A_582, %mul3A_625 : vector<128x128xi32>
    %add3A_627 = arith.addi %mul3A_626, %add3A_623 : vector<128x128xi32>
    %shift_right_logical3A_628 = arith.constant 16 : i32
    %shift_right_logical3A_629 = vector.broadcast %shift_right_logical3A_628 : i32 to vector<128x128xi32>
    %shift_right_logical3A_630 = arith.shrui %or3A_615, %shift_right_logical3A_629 : vector<128x128xi32>
    %shift_left3A_631 = arith.constant 16 : i32
    %shift_left3A_632 = vector.broadcast %shift_left3A_631 : i32 to vector<128x128xi32>
    %shift_left3A_633 = arith.shli %add3A_627, %shift_left3A_632 : vector<128x128xi32>
    %or3A_634 = arith.ori %shift_right_logical3A_630, %shift_left3A_633 : vector<128x128xi32>
    %shift_right_arithmetic3A_635 = arith.constant 16 : i32
    %shift_right_arithmetic3A_636 = vector.broadcast %shift_right_arithmetic3A_635 : i32 to vector<128x128xi32>
    %shift_right_arithmetic3A_637 = arith.shrsi %add3A_627, %shift_right_arithmetic3A_636 : vector<128x128xi32>
    %xor3A_638 = arith.xori %shift_right_arithmetic3A_637, %add3A_627 : vector<128x128xi32>
    %xor3A_639 = arith.xori %or3A_634, %or3A_615 : vector<128x128xi32>
    %and3A_640 = arith.constant 65535 : i32
    %and3A_641 = vector.broadcast %and3A_640 : i32 to vector<128x128xi32>
    %and3A_642 = arith.andi %xor3A_639, %and3A_641 : vector<128x128xi32>
    %shift_right_logical3A_643 = arith.constant 16 : i32
    %shift_right_logical3A_644 = vector.broadcast %shift_right_logical3A_643 : i32 to vector<128x128xi32>
    %shift_right_logical3A_645 = arith.shrui %xor3A_639, %shift_right_logical3A_644 : vector<128x128xi32>
    %mul3A_646 = arith.constant 40763 : i32
    %mul3A_647 = vector.broadcast %mul3A_646 : i32 to vector<128x128xi32>
    %mul3A_648 = arith.muli %and3A_642, %mul3A_647 : vector<128x128xi32>
    %mul3A_649 = arith.constant 1117 : i32
    %mul3A_650 = vector.broadcast %mul3A_649 : i32 to vector<128x128xi32>
    %mul3A_651 = arith.muli %and3A_642, %mul3A_650 : vector<128x128xi32>
    %mul3A_652 = arith.constant 40763 : i32
    %mul3A_653 = vector.broadcast %mul3A_652 : i32 to vector<128x128xi32>
    %mul3A_654 = arith.muli %shift_right_logical3A_645, %mul3A_653 : vector<128x128xi32>
    %mul3A_655 = arith.constant 1117 : i32
    %mul3A_656 = vector.broadcast %mul3A_655 : i32 to vector<128x128xi32>
    %mul3A_657 = arith.muli %shift_right_logical3A_645, %mul3A_656 : vector<128x128xi32>
    %shift_right_logical3A_658 = arith.constant 16 : i32
    %shift_right_logical3A_659 = vector.broadcast %shift_right_logical3A_658 : i32 to vector<128x128xi32>
    %shift_right_logical3A_660 = arith.shrui %mul3A_648, %shift_right_logical3A_659 : vector<128x128xi32>
    %add3A_661 = arith.addi %mul3A_654, %shift_right_logical3A_660 : vector<128x128xi32>
    %and3A_662 = arith.constant 65535 : i32
    %and3A_663 = vector.broadcast %and3A_662 : i32 to vector<128x128xi32>
    %and3A_664 = arith.andi %add3A_661, %and3A_663 : vector<128x128xi32>
    %add3A_665 = arith.addi %mul3A_651, %and3A_664 : vector<128x128xi32>
    %shift_left3A_666 = arith.constant 16 : i32
    %shift_left3A_667 = vector.broadcast %shift_left3A_666 : i32 to vector<128x128xi32>
    %shift_left3A_668 = arith.shli %add3A_665, %shift_left3A_667 : vector<128x128xi32>
    %and3A_669 = arith.constant 65535 : i32
    %and3A_670 = vector.broadcast %and3A_669 : i32 to vector<128x128xi32>
    %and3A_671 = arith.andi %mul3A_648, %and3A_670 : vector<128x128xi32>
    %or3A_672 = arith.ori %shift_left3A_668, %and3A_671 : vector<128x128xi32>
    %shift_right_logical3A_673 = arith.constant 16 : i32
    %shift_right_logical3A_674 = vector.broadcast %shift_right_logical3A_673 : i32 to vector<128x128xi32>
    %shift_right_logical3A_675 = arith.shrui %add3A_661, %shift_right_logical3A_674 : vector<128x128xi32>
    %add3A_676 = arith.addi %mul3A_657, %shift_right_logical3A_675 : vector<128x128xi32>
    %shift_right_logical3A_677 = arith.constant 16 : i32
    %shift_right_logical3A_678 = vector.broadcast %shift_right_logical3A_677 : i32 to vector<128x128xi32>
    %shift_right_logical3A_679 = arith.shrui %add3A_665, %shift_right_logical3A_678 : vector<128x128xi32>
    %add3A_680 = arith.addi %add3A_676, %shift_right_logical3A_679 : vector<128x128xi32>
    %mul3A_681 = arith.constant 73244475 : i32
    %mul3A_682 = vector.broadcast %mul3A_681 : i32 to vector<128x128xi32>
    %mul3A_683 = arith.muli %xor3A_638, %mul3A_682 : vector<128x128xi32>
    %add3A_684 = arith.addi %mul3A_683, %add3A_680 : vector<128x128xi32>
    %shift_right_logical3A_685 = arith.constant 16 : i32
    %shift_right_logical3A_686 = vector.broadcast %shift_right_logical3A_685 : i32 to vector<128x128xi32>
    %shift_right_logical3A_687 = arith.shrui %or3A_672, %shift_right_logical3A_686 : vector<128x128xi32>
    %shift_left3A_688 = arith.constant 16 : i32
    %shift_left3A_689 = vector.broadcast %shift_left3A_688 : i32 to vector<128x128xi32>
    %shift_left3A_690 = arith.shli %add3A_684, %shift_left3A_689 : vector<128x128xi32>
    %or3A_691 = arith.ori %shift_right_logical3A_687, %shift_left3A_690 : vector<128x128xi32>
    %shift_right_arithmetic3A_692 = arith.constant 16 : i32
    %shift_right_arithmetic3A_693 = vector.broadcast %shift_right_arithmetic3A_692 : i32 to vector<128x128xi32>
    %shift_right_arithmetic3A_694 = arith.shrsi %add3A_684, %shift_right_arithmetic3A_693 : vector<128x128xi32>
    %xor3A_695 = arith.xori %shift_right_arithmetic3A_694, %add3A_684 : vector<128x128xi32>
    %xor3A_696 = arith.xori %or3A_691, %or3A_672 : vector<128x128xi32>
    %and3A_697 = arith.constant 2147483647 : i32
    %and3A_698 = vector.broadcast %and3A_697 : i32 to vector<128x128xi32>
    %and3A_699 = arith.andi %xor3A_695, %and3A_698 : vector<128x128xi32>
    %and3A_700 = arith.constant 2147483647 : i32
    %and3A_701 = vector.broadcast %and3A_700 : i32 to vector<128x128xi32>
    %and3A_702 = arith.andi %xor3A_696, %and3A_701 : vector<128x128xi32>
    %and3A_703 = arith.constant 65535 : i32
    %and3A_704 = vector.broadcast %and3A_703 : i32 to vector<128x128xi32>
    %and3A_705 = arith.andi %and3A_699, %and3A_704 : vector<128x128xi32>
    %shift_right_logical3A_706 = arith.constant 16 : i32
    %shift_right_logical3A_707 = vector.broadcast %shift_right_logical3A_706 : i32 to vector<128x128xi32>
    %shift_right_logical3A_708 = arith.shrui %and3A_699, %shift_right_logical3A_707 : vector<128x128xi32>
    %mul3A_709 = arith.constant 2103 : i32
    %mul3A_710 = vector.broadcast %mul3A_709 : i32 to vector<128x128xi32>
    %mul3A_711 = arith.muli %and3A_705, %mul3A_710 : vector<128x128xi32>
    %and3A_712 = arith.constant 65535 : i32
    %and3A_713 = vector.broadcast %and3A_712 : i32 to vector<128x128xi32>
    %and3A_714 = arith.andi %mul3A_711, %and3A_713 : vector<128x128xi32>
    %shift_right_logical3A_715 = arith.constant 16 : i32
    %shift_right_logical3A_716 = vector.broadcast %shift_right_logical3A_715 : i32 to vector<128x128xi32>
    %shift_right_logical3A_717 = arith.shrui %mul3A_711, %shift_right_logical3A_716 : vector<128x128xi32>
    %mul3A_718 = arith.constant 54820 : i32
    %mul3A_719 = vector.broadcast %mul3A_718 : i32 to vector<128x128xi32>
    %mul3A_720 = arith.muli %and3A_714, %mul3A_719 : vector<128x128xi32>
    %mul3A_721 = arith.constant 21474 : i32
    %mul3A_722 = vector.broadcast %mul3A_721 : i32 to vector<128x128xi32>
    %mul3A_723 = arith.muli %and3A_714, %mul3A_722 : vector<128x128xi32>
    %mul3A_724 = arith.constant 54820 : i32
    %mul3A_725 = vector.broadcast %mul3A_724 : i32 to vector<128x128xi32>
    %mul3A_726 = arith.muli %shift_right_logical3A_717, %mul3A_725 : vector<128x128xi32>
    %mul3A_727 = arith.constant 21474 : i32
    %mul3A_728 = vector.broadcast %mul3A_727 : i32 to vector<128x128xi32>
    %mul3A_729 = arith.muli %shift_right_logical3A_717, %mul3A_728 : vector<128x128xi32>
    %shift_right_logical3A_730 = arith.constant 16 : i32
    %shift_right_logical3A_731 = vector.broadcast %shift_right_logical3A_730 : i32 to vector<128x128xi32>
    %shift_right_logical3A_732 = arith.shrui %mul3A_720, %shift_right_logical3A_731 : vector<128x128xi32>
    %add3A_733 = arith.addi %mul3A_726, %shift_right_logical3A_732 : vector<128x128xi32>
    %and3A_734 = arith.constant 65535 : i32
    %and3A_735 = vector.broadcast %and3A_734 : i32 to vector<128x128xi32>
    %and3A_736 = arith.andi %add3A_733, %and3A_735 : vector<128x128xi32>
    %add3A_737 = arith.addi %mul3A_723, %and3A_736 : vector<128x128xi32>
    %shift_right_logical3A_738 = arith.constant 16 : i32
    %shift_right_logical3A_739 = vector.broadcast %shift_right_logical3A_738 : i32 to vector<128x128xi32>
    %shift_right_logical3A_740 = arith.shrui %add3A_733, %shift_right_logical3A_739 : vector<128x128xi32>
    %add3A_741 = arith.addi %mul3A_729, %shift_right_logical3A_740 : vector<128x128xi32>
    %shift_right_logical3A_742 = arith.constant 16 : i32
    %shift_right_logical3A_743 = vector.broadcast %shift_right_logical3A_742 : i32 to vector<128x128xi32>
    %shift_right_logical3A_744 = arith.shrui %add3A_737, %shift_right_logical3A_743 : vector<128x128xi32>
    %add3A_745 = arith.addi %add3A_741, %shift_right_logical3A_744 : vector<128x128xi32>
    %shift_right_logical3A_746 = arith.constant 15 : i32
    %shift_right_logical3A_747 = vector.broadcast %shift_right_logical3A_746 : i32 to vector<128x128xi32>
    %shift_right_logical3A_748 = arith.shrui %add3A_745, %shift_right_logical3A_747 : vector<128x128xi32>
    %mul3A_749 = arith.constant 100000 : i32
    %mul3A_750 = vector.broadcast %mul3A_749 : i32 to vector<128x128xi32>
    %mul3A_751 = arith.muli %shift_right_logical3A_748, %mul3A_750 : vector<128x128xi32>
    %sub3A_752 = arith.subi %mul3A_711, %mul3A_751 : vector<128x128xi32>
    %mul3A_753 = arith.constant 32 : i32
    %mul3A_754 = vector.broadcast %mul3A_753 : i32 to vector<128x128xi32>
    %mul3A_755 = arith.muli %sub3A_752, %mul3A_754 : vector<128x128xi32>
    %mul3A_756 = arith.constant 10656 : i32
    %mul3A_757 = vector.broadcast %mul3A_756 : i32 to vector<128x128xi32>
    %mul3A_758 = arith.muli %shift_right_logical3A_708, %mul3A_757 : vector<128x128xi32>
    %add3A_759 = arith.addi %mul3A_755, %mul3A_758 : vector<128x128xi32>
    %and3A_760 = arith.constant 65535 : i32
    %and3A_761 = vector.broadcast %and3A_760 : i32 to vector<128x128xi32>
    %and3A_762 = arith.andi %and3A_702, %and3A_761 : vector<128x128xi32>
    %shift_right_logical3A_763 = arith.constant 16 : i32
    %shift_right_logical3A_764 = vector.broadcast %shift_right_logical3A_763 : i32 to vector<128x128xi32>
    %shift_right_logical3A_765 = arith.shrui %and3A_702, %shift_right_logical3A_764 : vector<128x128xi32>
    %mul3A_766 = arith.constant 54820 : i32
    %mul3A_767 = vector.broadcast %mul3A_766 : i32 to vector<128x128xi32>
    %mul3A_768 = arith.muli %and3A_762, %mul3A_767 : vector<128x128xi32>
    %mul3A_769 = arith.constant 21474 : i32
    %mul3A_770 = vector.broadcast %mul3A_769 : i32 to vector<128x128xi32>
    %mul3A_771 = arith.muli %and3A_762, %mul3A_770 : vector<128x128xi32>
    %mul3A_772 = arith.constant 54820 : i32
    %mul3A_773 = vector.broadcast %mul3A_772 : i32 to vector<128x128xi32>
    %mul3A_774 = arith.muli %shift_right_logical3A_765, %mul3A_773 : vector<128x128xi32>
    %mul3A_775 = arith.constant 21474 : i32
    %mul3A_776 = vector.broadcast %mul3A_775 : i32 to vector<128x128xi32>
    %mul3A_777 = arith.muli %shift_right_logical3A_765, %mul3A_776 : vector<128x128xi32>
    %shift_right_logical3A_778 = arith.constant 16 : i32
    %shift_right_logical3A_779 = vector.broadcast %shift_right_logical3A_778 : i32 to vector<128x128xi32>
    %shift_right_logical3A_780 = arith.shrui %mul3A_768, %shift_right_logical3A_779 : vector<128x128xi32>
    %add3A_781 = arith.addi %mul3A_774, %shift_right_logical3A_780 : vector<128x128xi32>
    %and3A_782 = arith.constant 65535 : i32
    %and3A_783 = vector.broadcast %and3A_782 : i32 to vector<128x128xi32>
    %and3A_784 = arith.andi %add3A_781, %and3A_783 : vector<128x128xi32>
    %add3A_785 = arith.addi %mul3A_771, %and3A_784 : vector<128x128xi32>
    %shift_right_logical3A_786 = arith.constant 16 : i32
    %shift_right_logical3A_787 = vector.broadcast %shift_right_logical3A_786 : i32 to vector<128x128xi32>
    %shift_right_logical3A_788 = arith.shrui %add3A_781, %shift_right_logical3A_787 : vector<128x128xi32>
    %add3A_789 = arith.addi %mul3A_777, %shift_right_logical3A_788 : vector<128x128xi32>
    %shift_right_logical3A_790 = arith.constant 16 : i32
    %shift_right_logical3A_791 = vector.broadcast %shift_right_logical3A_790 : i32 to vector<128x128xi32>
    %shift_right_logical3A_792 = arith.shrui %add3A_785, %shift_right_logical3A_791 : vector<128x128xi32>
    %add3A_793 = arith.addi %add3A_789, %shift_right_logical3A_792 : vector<128x128xi32>
    %shift_right_logical3A_794 = arith.constant 15 : i32
    %shift_right_logical3A_795 = vector.broadcast %shift_right_logical3A_794 : i32 to vector<128x128xi32>
    %shift_right_logical3A_796 = arith.shrui %add3A_793, %shift_right_logical3A_795 : vector<128x128xi32>
    %mul3A_797 = arith.constant 100000 : i32
    %mul3A_798 = vector.broadcast %mul3A_797 : i32 to vector<128x128xi32>
    %mul3A_799 = arith.muli %shift_right_logical3A_796, %mul3A_798 : vector<128x128xi32>
    %sub3A_800 = arith.subi %and3A_702, %mul3A_799 : vector<128x128xi32>
    %add3A_801 = arith.addi %add3A_759, %sub3A_800 : vector<128x128xi32>
    %lt3A_802 = arith.constant 0 : i32
    %lt3A_803 = vector.broadcast %lt3A_802 : i32 to vector<128x128xi32>
    %lt3A_804 = arith.cmpi slt, %xor3A_696, %lt3A_803 : vector<128x128xi32>
    %jit3A_805 = arith.constant 83648 : i32
    %jit3A_806 = arith.constant 0 : i32
    %broadcast_in_dim3A_807 = vector.broadcast %jit3A_805 : i32 to vector<128x128xi32>
    %broadcast_in_dim3A_808 = vector.broadcast %jit3A_806 : i32 to vector<128x128xi32>
    %select_n3A_809 = arith.select %lt3A_804, %broadcast_in_dim3A_807, %broadcast_in_dim3A_808 : vector<128x128xi1>, vector<128x128xi32>
    %add3A_810 = arith.addi %add3A_801, %select_n3A_809 : vector<128x128xi32>
    %lt3A_811 = arith.constant 0 : i32
    %lt3A_812 = vector.broadcast %lt3A_811 : i32 to vector<128x128xi32>
    %lt3A_813 = arith.cmpi slt, %xor3A_695, %lt3A_812 : vector<128x128xi32>
    %jit3A_814 = arith.constant 75808 : i32
    %jit3A_815 = arith.constant 0 : i32
    %broadcast_in_dim3A_816 = vector.broadcast %jit3A_814 : i32 to vector<128x128xi32>
    %broadcast_in_dim3A_817 = vector.broadcast %jit3A_815 : i32 to vector<128x128xi32>
    %select_n3A_818 = arith.select %lt3A_813, %broadcast_in_dim3A_816, %broadcast_in_dim3A_817 : vector<128x128xi1>, vector<128x128xi32>
    %add3A_819 = arith.addi %add3A_810, %select_n3A_818 : vector<128x128xi32>
    %and3A_820 = arith.constant 65535 : i32
    %and3A_821 = vector.broadcast %and3A_820 : i32 to vector<128x128xi32>
    %and3A_822 = arith.andi %add3A_819, %and3A_821 : vector<128x128xi32>
    %shift_right_logical3A_823 = arith.constant 16 : i32
    %shift_right_logical3A_824 = vector.broadcast %shift_right_logical3A_823 : i32 to vector<128x128xi32>
    %shift_right_logical3A_825 = arith.shrui %add3A_819, %shift_right_logical3A_824 : vector<128x128xi32>
    %mul3A_826 = arith.constant 54820 : i32
    %mul3A_827 = vector.broadcast %mul3A_826 : i32 to vector<128x128xi32>
    %mul3A_828 = arith.muli %and3A_822, %mul3A_827 : vector<128x128xi32>
    %mul3A_829 = arith.constant 21474 : i32
    %mul3A_830 = vector.broadcast %mul3A_829 : i32 to vector<128x128xi32>
    %mul3A_831 = arith.muli %and3A_822, %mul3A_830 : vector<128x128xi32>
    %mul3A_832 = arith.constant 54820 : i32
    %mul3A_833 = vector.broadcast %mul3A_832 : i32 to vector<128x128xi32>
    %mul3A_834 = arith.muli %shift_right_logical3A_825, %mul3A_833 : vector<128x128xi32>
    %mul3A_835 = arith.constant 21474 : i32
    %mul3A_836 = vector.broadcast %mul3A_835 : i32 to vector<128x128xi32>
    %mul3A_837 = arith.muli %shift_right_logical3A_825, %mul3A_836 : vector<128x128xi32>
    %shift_right_logical3A_838 = arith.constant 16 : i32
    %shift_right_logical3A_839 = vector.broadcast %shift_right_logical3A_838 : i32 to vector<128x128xi32>
    %shift_right_logical3A_840 = arith.shrui %mul3A_828, %shift_right_logical3A_839 : vector<128x128xi32>
    %add3A_841 = arith.addi %mul3A_834, %shift_right_logical3A_840 : vector<128x128xi32>
    %and3A_842 = arith.constant 65535 : i32
    %and3A_843 = vector.broadcast %and3A_842 : i32 to vector<128x128xi32>
    %and3A_844 = arith.andi %add3A_841, %and3A_843 : vector<128x128xi32>
    %add3A_845 = arith.addi %mul3A_831, %and3A_844 : vector<128x128xi32>
    %shift_right_logical3A_846 = arith.constant 16 : i32
    %shift_right_logical3A_847 = vector.broadcast %shift_right_logical3A_846 : i32 to vector<128x128xi32>
    %shift_right_logical3A_848 = arith.shrui %add3A_841, %shift_right_logical3A_847 : vector<128x128xi32>
    %add3A_849 = arith.addi %mul3A_837, %shift_right_logical3A_848 : vector<128x128xi32>
    %shift_right_logical3A_850 = arith.constant 16 : i32
    %shift_right_logical3A_851 = vector.broadcast %shift_right_logical3A_850 : i32 to vector<128x128xi32>
    %shift_right_logical3A_852 = arith.shrui %add3A_845, %shift_right_logical3A_851 : vector<128x128xi32>
    %add3A_853 = arith.addi %add3A_849, %shift_right_logical3A_852 : vector<128x128xi32>
    %shift_right_logical3A_854 = arith.constant 15 : i32
    %shift_right_logical3A_855 = vector.broadcast %shift_right_logical3A_854 : i32 to vector<128x128xi32>
    %shift_right_logical3A_856 = arith.shrui %add3A_853, %shift_right_logical3A_855 : vector<128x128xi32>
    %mul3A_857 = arith.constant 100000 : i32
    %mul3A_858 = vector.broadcast %mul3A_857 : i32 to vector<128x128xi32>
    %mul3A_859 = arith.muli %shift_right_logical3A_856, %mul3A_858 : vector<128x128xi32>
    %sub3A_860 = arith.subi %add3A_819, %mul3A_859 : vector<128x128xi32>
    %swap3A_861 = arith.constant 2 : index
    %swap3A_862 = arith.constant 0 : index
    %swap3A_863 = arith.constant 0 : index
    %swap3A_864 = vector.load %arg2[%swap3A_861, %swap3A_862, %swap3A_863] : memref<4x128x128xi32, #tpu.memory_space<vmem>>, vector<1x128x128xi32>
    %swap3A_865 = vector.shape_cast %swap3A_864 : vector<1x128x128xi32> to vector<128x128xi32>
    %swap3A_866 = vector.shape_cast %sub3A_860 : vector<128x128xi32> to vector<1x128x128xi32>
    tpu.vector_store %arg2[%swap3A_861, %swap3A_862, %swap3A_863], %swap3A_866 {strides = array<i32>} : memref<4x128x128xi32, #tpu.memory_space<vmem>>, vector<1x128x128xi32>,
    %add3A_867 = arith.constant 3 : i32
    %add3A_868 = vector.broadcast %add3A_867 : i32 to vector<128x128xi32>
    %add3A_869 = arith.addi %get3A_1, %add3A_868 : vector<128x128xi32>
    %shift_right_logical3A_870 = arith.constant 16 : i32
    %shift_right_logical3A_871 = vector.broadcast %shift_right_logical3A_870 : i32 to vector<128x128xi32>
    %shift_right_logical3A_872 = arith.shrui %add3A_869, %shift_right_logical3A_871 : vector<128x128xi32>
    %xor3A_873 = arith.xori %shift_right_logical3A_872, %add3A_869 : vector<128x128xi32>
    %broadcast_in_dim3A_874 = arith.constant 0 : i32
    %broadcast_in_dim3A_875 = vector.broadcast %broadcast_in_dim3A_874 : i32 to vector<128x128xi32>
    %and3A_876 = arith.constant 65535 : i32
    %and3A_877 = vector.broadcast %and3A_876 : i32 to vector<128x128xi32>
    %and3A_878 = arith.andi %xor3A_873, %and3A_877 : vector<128x128xi32>
    %shift_right_logical3A_879 = arith.constant 16 : i32
    %shift_right_logical3A_880 = vector.broadcast %shift_right_logical3A_879 : i32 to vector<128x128xi32>
    %shift_right_logical3A_881 = arith.shrui %xor3A_873, %shift_right_logical3A_880 : vector<128x128xi32>
    %mul3A_882 = arith.constant 40763 : i32
    %mul3A_883 = vector.broadcast %mul3A_882 : i32 to vector<128x128xi32>
    %mul3A_884 = arith.muli %and3A_878, %mul3A_883 : vector<128x128xi32>
    %mul3A_885 = arith.constant 1117 : i32
    %mul3A_886 = vector.broadcast %mul3A_885 : i32 to vector<128x128xi32>
    %mul3A_887 = arith.muli %and3A_878, %mul3A_886 : vector<128x128xi32>
    %mul3A_888 = arith.constant 40763 : i32
    %mul3A_889 = vector.broadcast %mul3A_888 : i32 to vector<128x128xi32>
    %mul3A_890 = arith.muli %shift_right_logical3A_881, %mul3A_889 : vector<128x128xi32>
    %mul3A_891 = arith.constant 1117 : i32
    %mul3A_892 = vector.broadcast %mul3A_891 : i32 to vector<128x128xi32>
    %mul3A_893 = arith.muli %shift_right_logical3A_881, %mul3A_892 : vector<128x128xi32>
    %shift_right_logical3A_894 = arith.constant 16 : i32
    %shift_right_logical3A_895 = vector.broadcast %shift_right_logical3A_894 : i32 to vector<128x128xi32>
    %shift_right_logical3A_896 = arith.shrui %mul3A_884, %shift_right_logical3A_895 : vector<128x128xi32>
    %add3A_897 = arith.addi %mul3A_890, %shift_right_logical3A_896 : vector<128x128xi32>
    %and3A_898 = arith.constant 65535 : i32
    %and3A_899 = vector.broadcast %and3A_898 : i32 to vector<128x128xi32>
    %and3A_900 = arith.andi %add3A_897, %and3A_899 : vector<128x128xi32>
    %add3A_901 = arith.addi %mul3A_887, %and3A_900 : vector<128x128xi32>
    %shift_left3A_902 = arith.constant 16 : i32
    %shift_left3A_903 = vector.broadcast %shift_left3A_902 : i32 to vector<128x128xi32>
    %shift_left3A_904 = arith.shli %add3A_901, %shift_left3A_903 : vector<128x128xi32>
    %and3A_905 = arith.constant 65535 : i32
    %and3A_906 = vector.broadcast %and3A_905 : i32 to vector<128x128xi32>
    %and3A_907 = arith.andi %mul3A_884, %and3A_906 : vector<128x128xi32>
    %or3A_908 = arith.ori %shift_left3A_904, %and3A_907 : vector<128x128xi32>
    %shift_right_logical3A_909 = arith.constant 16 : i32
    %shift_right_logical3A_910 = vector.broadcast %shift_right_logical3A_909 : i32 to vector<128x128xi32>
    %shift_right_logical3A_911 = arith.shrui %add3A_897, %shift_right_logical3A_910 : vector<128x128xi32>
    %add3A_912 = arith.addi %mul3A_893, %shift_right_logical3A_911 : vector<128x128xi32>
    %shift_right_logical3A_913 = arith.constant 16 : i32
    %shift_right_logical3A_914 = vector.broadcast %shift_right_logical3A_913 : i32 to vector<128x128xi32>
    %shift_right_logical3A_915 = arith.shrui %add3A_901, %shift_right_logical3A_914 : vector<128x128xi32>
    %add3A_916 = arith.addi %add3A_912, %shift_right_logical3A_915 : vector<128x128xi32>
    %mul3A_917 = arith.constant 73244475 : i32
    %mul3A_918 = vector.broadcast %mul3A_917 : i32 to vector<128x128xi32>
    %mul3A_919 = arith.muli %broadcast_in_dim3A_875, %mul3A_918 : vector<128x128xi32>
    %add3A_920 = arith.addi %mul3A_919, %add3A_916 : vector<128x128xi32>
    %shift_right_logical3A_921 = arith.constant 16 : i32
    %shift_right_logical3A_922 = vector.broadcast %shift_right_logical3A_921 : i32 to vector<128x128xi32>
    %shift_right_logical3A_923 = arith.shrui %or3A_908, %shift_right_logical3A_922 : vector<128x128xi32>
    %shift_left3A_924 = arith.constant 16 : i32
    %shift_left3A_925 = vector.broadcast %shift_left3A_924 : i32 to vector<128x128xi32>
    %shift_left3A_926 = arith.shli %add3A_920, %shift_left3A_925 : vector<128x128xi32>
    %or3A_927 = arith.ori %shift_right_logical3A_923, %shift_left3A_926 : vector<128x128xi32>
    %shift_right_arithmetic3A_928 = arith.constant 16 : i32
    %shift_right_arithmetic3A_929 = vector.broadcast %shift_right_arithmetic3A_928 : i32 to vector<128x128xi32>
    %shift_right_arithmetic3A_930 = arith.shrsi %add3A_920, %shift_right_arithmetic3A_929 : vector<128x128xi32>
    %xor3A_931 = arith.xori %shift_right_arithmetic3A_930, %add3A_920 : vector<128x128xi32>
    %xor3A_932 = arith.xori %or3A_927, %or3A_908 : vector<128x128xi32>
    %and3A_933 = arith.constant 65535 : i32
    %and3A_934 = vector.broadcast %and3A_933 : i32 to vector<128x128xi32>
    %and3A_935 = arith.andi %xor3A_932, %and3A_934 : vector<128x128xi32>
    %shift_right_logical3A_936 = arith.constant 16 : i32
    %shift_right_logical3A_937 = vector.broadcast %shift_right_logical3A_936 : i32 to vector<128x128xi32>
    %shift_right_logical3A_938 = arith.shrui %xor3A_932, %shift_right_logical3A_937 : vector<128x128xi32>
    %mul3A_939 = arith.constant 40763 : i32
    %mul3A_940 = vector.broadcast %mul3A_939 : i32 to vector<128x128xi32>
    %mul3A_941 = arith.muli %and3A_935, %mul3A_940 : vector<128x128xi32>
    %mul3A_942 = arith.constant 1117 : i32
    %mul3A_943 = vector.broadcast %mul3A_942 : i32 to vector<128x128xi32>
    %mul3A_944 = arith.muli %and3A_935, %mul3A_943 : vector<128x128xi32>
    %mul3A_945 = arith.constant 40763 : i32
    %mul3A_946 = vector.broadcast %mul3A_945 : i32 to vector<128x128xi32>
    %mul3A_947 = arith.muli %shift_right_logical3A_938, %mul3A_946 : vector<128x128xi32>
    %mul3A_948 = arith.constant 1117 : i32
    %mul3A_949 = vector.broadcast %mul3A_948 : i32 to vector<128x128xi32>
    %mul3A_950 = arith.muli %shift_right_logical3A_938, %mul3A_949 : vector<128x128xi32>
    %shift_right_logical3A_951 = arith.constant 16 : i32
    %shift_right_logical3A_952 = vector.broadcast %shift_right_logical3A_951 : i32 to vector<128x128xi32>
    %shift_right_logical3A_953 = arith.shrui %mul3A_941, %shift_right_logical3A_952 : vector<128x128xi32>
    %add3A_954 = arith.addi %mul3A_947, %shift_right_logical3A_953 : vector<128x128xi32>
    %and3A_955 = arith.constant 65535 : i32
    %and3A_956 = vector.broadcast %and3A_955 : i32 to vector<128x128xi32>
    %and3A_957 = arith.andi %add3A_954, %and3A_956 : vector<128x128xi32>
    %add3A_958 = arith.addi %mul3A_944, %and3A_957 : vector<128x128xi32>
    %shift_left3A_959 = arith.constant 16 : i32
    %shift_left3A_960 = vector.broadcast %shift_left3A_959 : i32 to vector<128x128xi32>
    %shift_left3A_961 = arith.shli %add3A_958, %shift_left3A_960 : vector<128x128xi32>
    %and3A_962 = arith.constant 65535 : i32
    %and3A_963 = vector.broadcast %and3A_962 : i32 to vector<128x128xi32>
    %and3A_964 = arith.andi %mul3A_941, %and3A_963 : vector<128x128xi32>
    %or3A_965 = arith.ori %shift_left3A_961, %and3A_964 : vector<128x128xi32>
    %shift_right_logical3A_966 = arith.constant 16 : i32
    %shift_right_logical3A_967 = vector.broadcast %shift_right_logical3A_966 : i32 to vector<128x128xi32>
    %shift_right_logical3A_968 = arith.shrui %add3A_954, %shift_right_logical3A_967 : vector<128x128xi32>
    %add3A_969 = arith.addi %mul3A_950, %shift_right_logical3A_968 : vector<128x128xi32>
    %shift_right_logical3A_970 = arith.constant 16 : i32
    %shift_right_logical3A_971 = vector.broadcast %shift_right_logical3A_970 : i32 to vector<128x128xi32>
    %shift_right_logical3A_972 = arith.shrui %add3A_958, %shift_right_logical3A_971 : vector<128x128xi32>
    %add3A_973 = arith.addi %add3A_969, %shift_right_logical3A_972 : vector<128x128xi32>
    %mul3A_974 = arith.constant 73244475 : i32
    %mul3A_975 = vector.broadcast %mul3A_974 : i32 to vector<128x128xi32>
    %mul3A_976 = arith.muli %xor3A_931, %mul3A_975 : vector<128x128xi32>
    %add3A_977 = arith.addi %mul3A_976, %add3A_973 : vector<128x128xi32>
    %shift_right_logical3A_978 = arith.constant 16 : i32
    %shift_right_logical3A_979 = vector.broadcast %shift_right_logical3A_978 : i32 to vector<128x128xi32>
    %shift_right_logical3A_980 = arith.shrui %or3A_965, %shift_right_logical3A_979 : vector<128x128xi32>
    %shift_left3A_981 = arith.constant 16 : i32
    %shift_left3A_982 = vector.broadcast %shift_left3A_981 : i32 to vector<128x128xi32>
    %shift_left3A_983 = arith.shli %add3A_977, %shift_left3A_982 : vector<128x128xi32>
    %or3A_984 = arith.ori %shift_right_logical3A_980, %shift_left3A_983 : vector<128x128xi32>
    %shift_right_arithmetic3A_985 = arith.constant 16 : i32
    %shift_right_arithmetic3A_986 = vector.broadcast %shift_right_arithmetic3A_985 : i32 to vector<128x128xi32>
    %shift_right_arithmetic3A_987 = arith.shrsi %add3A_977, %shift_right_arithmetic3A_986 : vector<128x128xi32>
    %xor3A_988 = arith.xori %shift_right_arithmetic3A_987, %add3A_977 : vector<128x128xi32>
    %xor3A_989 = arith.xori %or3A_984, %or3A_965 : vector<128x128xi32>
    %and3A_990 = arith.constant 2147483647 : i32
    %and3A_991 = vector.broadcast %and3A_990 : i32 to vector<128x128xi32>
    %and3A_992 = arith.andi %xor3A_988, %and3A_991 : vector<128x128xi32>
    %and3A_993 = arith.constant 2147483647 : i32
    %and3A_994 = vector.broadcast %and3A_993 : i32 to vector<128x128xi32>
    %and3A_995 = arith.andi %xor3A_989, %and3A_994 : vector<128x128xi32>
    %and3A_996 = arith.constant 65535 : i32
    %and3A_997 = vector.broadcast %and3A_996 : i32 to vector<128x128xi32>
    %and3A_998 = arith.andi %and3A_992, %and3A_997 : vector<128x128xi32>
    %shift_right_logical3A_999 = arith.constant 16 : i32
    %shift_right_logical3A_1000 = vector.broadcast %shift_right_logical3A_999 : i32 to vector<128x128xi32>
    %shift_right_logical3A_1001 = arith.shrui %and3A_992, %shift_right_logical3A_1000 : vector<128x128xi32>
    %mul3A_1002 = arith.constant 2103 : i32
    %mul3A_1003 = vector.broadcast %mul3A_1002 : i32 to vector<128x128xi32>
    %mul3A_1004 = arith.muli %and3A_998, %mul3A_1003 : vector<128x128xi32>
    %and3A_1005 = arith.constant 65535 : i32
    %and3A_1006 = vector.broadcast %and3A_1005 : i32 to vector<128x128xi32>
    %and3A_1007 = arith.andi %mul3A_1004, %and3A_1006 : vector<128x128xi32>
    %shift_right_logical3A_1008 = arith.constant 16 : i32
    %shift_right_logical3A_1009 = vector.broadcast %shift_right_logical3A_1008 : i32 to vector<128x128xi32>
    %shift_right_logical3A_1010 = arith.shrui %mul3A_1004, %shift_right_logical3A_1009 : vector<128x128xi32>
    %mul3A_1011 = arith.constant 54820 : i32
    %mul3A_1012 = vector.broadcast %mul3A_1011 : i32 to vector<128x128xi32>
    %mul3A_1013 = arith.muli %and3A_1007, %mul3A_1012 : vector<128x128xi32>
    %mul3A_1014 = arith.constant 21474 : i32
    %mul3A_1015 = vector.broadcast %mul3A_1014 : i32 to vector<128x128xi32>
    %mul3A_1016 = arith.muli %and3A_1007, %mul3A_1015 : vector<128x128xi32>
    %mul3A_1017 = arith.constant 54820 : i32
    %mul3A_1018 = vector.broadcast %mul3A_1017 : i32 to vector<128x128xi32>
    %mul3A_1019 = arith.muli %shift_right_logical3A_1010, %mul3A_1018 : vector<128x128xi32>
    %mul3A_1020 = arith.constant 21474 : i32
    %mul3A_1021 = vector.broadcast %mul3A_1020 : i32 to vector<128x128xi32>
    %mul3A_1022 = arith.muli %shift_right_logical3A_1010, %mul3A_1021 : vector<128x128xi32>
    %shift_right_logical3A_1023 = arith.constant 16 : i32
    %shift_right_logical3A_1024 = vector.broadcast %shift_right_logical3A_1023 : i32 to vector<128x128xi32>
    %shift_right_logical3A_1025 = arith.shrui %mul3A_1013, %shift_right_logical3A_1024 : vector<128x128xi32>
    %add3A_1026 = arith.addi %mul3A_1019, %shift_right_logical3A_1025 : vector<128x128xi32>
    %and3A_1027 = arith.constant 65535 : i32
    %and3A_1028 = vector.broadcast %and3A_1027 : i32 to vector<128x128xi32>
    %and3A_1029 = arith.andi %add3A_1026, %and3A_1028 : vector<128x128xi32>
    %add3A_1030 = arith.addi %mul3A_1016, %and3A_1029 : vector<128x128xi32>
    %shift_right_logical3A_1031 = arith.constant 16 : i32
    %shift_right_logical3A_1032 = vector.broadcast %shift_right_logical3A_1031 : i32 to vector<128x128xi32>
    %shift_right_logical3A_1033 = arith.shrui %add3A_1026, %shift_right_logical3A_1032 : vector<128x128xi32>
    %add3A_1034 = arith.addi %mul3A_1022, %shift_right_logical3A_1033 : vector<128x128xi32>
    %shift_right_logical3A_1035 = arith.constant 16 : i32
    %shift_right_logical3A_1036 = vector.broadcast %shift_right_logical3A_1035 : i32 to vector<128x128xi32>
    %shift_right_logical3A_1037 = arith.shrui %add3A_1030, %shift_right_logical3A_1036 : vector<128x128xi32>
    %add3A_1038 = arith.addi %add3A_1034, %shift_right_logical3A_1037 : vector<128x128xi32>
    %shift_right_logical3A_1039 = arith.constant 15 : i32
    %shift_right_logical3A_1040 = vector.broadcast %shift_right_logical3A_1039 : i32 to vector<128x128xi32>
    %shift_right_logical3A_1041 = arith.shrui %add3A_1038, %shift_right_logical3A_1040 : vector<128x128xi32>
    %mul3A_1042 = arith.constant 100000 : i32
    %mul3A_1043 = vector.broadcast %mul3A_1042 : i32 to vector<128x128xi32>
    %mul3A_1044 = arith.muli %shift_right_logical3A_1041, %mul3A_1043 : vector<128x128xi32>
    %sub3A_1045 = arith.subi %mul3A_1004, %mul3A_1044 : vector<128x128xi32>
    %mul3A_1046 = arith.constant 32 : i32
    %mul3A_1047 = vector.broadcast %mul3A_1046 : i32 to vector<128x128xi32>
    %mul3A_1048 = arith.muli %sub3A_1045, %mul3A_1047 : vector<128x128xi32>
    %mul3A_1049 = arith.constant 10656 : i32
    %mul3A_1050 = vector.broadcast %mul3A_1049 : i32 to vector<128x128xi32>
    %mul3A_1051 = arith.muli %shift_right_logical3A_1001, %mul3A_1050 : vector<128x128xi32>
    %add3A_1052 = arith.addi %mul3A_1048, %mul3A_1051 : vector<128x128xi32>
    %and3A_1053 = arith.constant 65535 : i32
    %and3A_1054 = vector.broadcast %and3A_1053 : i32 to vector<128x128xi32>
    %and3A_1055 = arith.andi %and3A_995, %and3A_1054 : vector<128x128xi32>
    %shift_right_logical3A_1056 = arith.constant 16 : i32
    %shift_right_logical3A_1057 = vector.broadcast %shift_right_logical3A_1056 : i32 to vector<128x128xi32>
    %shift_right_logical3A_1058 = arith.shrui %and3A_995, %shift_right_logical3A_1057 : vector<128x128xi32>
    %mul3A_1059 = arith.constant 54820 : i32
    %mul3A_1060 = vector.broadcast %mul3A_1059 : i32 to vector<128x128xi32>
    %mul3A_1061 = arith.muli %and3A_1055, %mul3A_1060 : vector<128x128xi32>
    %mul3A_1062 = arith.constant 21474 : i32
    %mul3A_1063 = vector.broadcast %mul3A_1062 : i32 to vector<128x128xi32>
    %mul3A_1064 = arith.muli %and3A_1055, %mul3A_1063 : vector<128x128xi32>
    %mul3A_1065 = arith.constant 54820 : i32
    %mul3A_1066 = vector.broadcast %mul3A_1065 : i32 to vector<128x128xi32>
    %mul3A_1067 = arith.muli %shift_right_logical3A_1058, %mul3A_1066 : vector<128x128xi32>
    %mul3A_1068 = arith.constant 21474 : i32
    %mul3A_1069 = vector.broadcast %mul3A_1068 : i32 to vector<128x128xi32>
    %mul3A_1070 = arith.muli %shift_right_logical3A_1058, %mul3A_1069 : vector<128x128xi32>
    %shift_right_logical3A_1071 = arith.constant 16 : i32
    %shift_right_logical3A_1072 = vector.broadcast %shift_right_logical3A_1071 : i32 to vector<128x128xi32>
    %shift_right_logical3A_1073 = arith.shrui %mul3A_1061, %shift_right_logical3A_1072 : vector<128x128xi32>
    %add3A_1074 = arith.addi %mul3A_1067, %shift_right_logical3A_1073 : vector<128x128xi32>
    %and3A_1075 = arith.constant 65535 : i32
    %and3A_1076 = vector.broadcast %and3A_1075 : i32 to vector<128x128xi32>
    %and3A_1077 = arith.andi %add3A_1074, %and3A_1076 : vector<128x128xi32>
    %add3A_1078 = arith.addi %mul3A_1064, %and3A_1077 : vector<128x128xi32>
    %shift_right_logical3A_1079 = arith.constant 16 : i32
    %shift_right_logical3A_1080 = vector.broadcast %shift_right_logical3A_1079 : i32 to vector<128x128xi32>
    %shift_right_logical3A_1081 = arith.shrui %add3A_1074, %shift_right_logical3A_1080 : vector<128x128xi32>
    %add3A_1082 = arith.addi %mul3A_1070, %shift_right_logical3A_1081 : vector<128x128xi32>
    %shift_right_logical3A_1083 = arith.constant 16 : i32
    %shift_right_logical3A_1084 = vector.broadcast %shift_right_logical3A_1083 : i32 to vector<128x128xi32>
    %shift_right_logical3A_1085 = arith.shrui %add3A_1078, %shift_right_logical3A_1084 : vector<128x128xi32>
    %add3A_1086 = arith.addi %add3A_1082, %shift_right_logical3A_1085 : vector<128x128xi32>
    %shift_right_logical3A_1087 = arith.constant 15 : i32
    %shift_right_logical3A_1088 = vector.broadcast %shift_right_logical3A_1087 : i32 to vector<128x128xi32>
    %shift_right_logical3A_1089 = arith.shrui %add3A_1086, %shift_right_logical3A_1088 : vector<128x128xi32>
    %mul3A_1090 = arith.constant 100000 : i32
    %mul3A_1091 = vector.broadcast %mul3A_1090 : i32 to vector<128x128xi32>
    %mul3A_1092 = arith.muli %shift_right_logical3A_1089, %mul3A_1091 : vector<128x128xi32>
    %sub3A_1093 = arith.subi %and3A_995, %mul3A_1092 : vector<128x128xi32>
    %add3A_1094 = arith.addi %add3A_1052, %sub3A_1093 : vector<128x128xi32>
    %lt3A_1095 = arith.constant 0 : i32
    %lt3A_1096 = vector.broadcast %lt3A_1095 : i32 to vector<128x128xi32>
    %lt3A_1097 = arith.cmpi slt, %xor3A_989, %lt3A_1096 : vector<128x128xi32>
    %jit3A_1098 = arith.constant 83648 : i32
    %jit3A_1099 = arith.constant 0 : i32
    %broadcast_in_dim3A_1100 = vector.broadcast %jit3A_1098 : i32 to vector<128x128xi32>
    %broadcast_in_dim3A_1101 = vector.broadcast %jit3A_1099 : i32 to vector<128x128xi32>
    %select_n3A_1102 = arith.select %lt3A_1097, %broadcast_in_dim3A_1100, %broadcast_in_dim3A_1101 : vector<128x128xi1>, vector<128x128xi32>
    %add3A_1103 = arith.addi %add3A_1094, %select_n3A_1102 : vector<128x128xi32>
    %lt3A_1104 = arith.constant 0 : i32
    %lt3A_1105 = vector.broadcast %lt3A_1104 : i32 to vector<128x128xi32>
    %lt3A_1106 = arith.cmpi slt, %xor3A_988, %lt3A_1105 : vector<128x128xi32>
    %jit3A_1107 = arith.constant 75808 : i32
    %jit3A_1108 = arith.constant 0 : i32
    %broadcast_in_dim3A_1109 = vector.broadcast %jit3A_1107 : i32 to vector<128x128xi32>
    %broadcast_in_dim3A_1110 = vector.broadcast %jit3A_1108 : i32 to vector<128x128xi32>
    %select_n3A_1111 = arith.select %lt3A_1106, %broadcast_in_dim3A_1109, %broadcast_in_dim3A_1110 : vector<128x128xi1>, vector<128x128xi32>
    %add3A_1112 = arith.addi %add3A_1103, %select_n3A_1111 : vector<128x128xi32>
    %and3A_1113 = arith.constant 65535 : i32
    %and3A_1114 = vector.broadcast %and3A_1113 : i32 to vector<128x128xi32>
    %and3A_1115 = arith.andi %add3A_1112, %and3A_1114 : vector<128x128xi32>
    %shift_right_logical3A_1116 = arith.constant 16 : i32
    %shift_right_logical3A_1117 = vector.broadcast %shift_right_logical3A_1116 : i32 to vector<128x128xi32>
    %shift_right_logical3A_1118 = arith.shrui %add3A_1112, %shift_right_logical3A_1117 : vector<128x128xi32>
    %mul3A_1119 = arith.constant 54820 : i32
    %mul3A_1120 = vector.broadcast %mul3A_1119 : i32 to vector<128x128xi32>
    %mul3A_1121 = arith.muli %and3A_1115, %mul3A_1120 : vector<128x128xi32>
    %mul3A_1122 = arith.constant 21474 : i32
    %mul3A_1123 = vector.broadcast %mul3A_1122 : i32 to vector<128x128xi32>
    %mul3A_1124 = arith.muli %and3A_1115, %mul3A_1123 : vector<128x128xi32>
    %mul3A_1125 = arith.constant 54820 : i32
    %mul3A_1126 = vector.broadcast %mul3A_1125 : i32 to vector<128x128xi32>
    %mul3A_1127 = arith.muli %shift_right_logical3A_1118, %mul3A_1126 : vector<128x128xi32>
    %mul3A_1128 = arith.constant 21474 : i32
    %mul3A_1129 = vector.broadcast %mul3A_1128 : i32 to vector<128x128xi32>
    %mul3A_1130 = arith.muli %shift_right_logical3A_1118, %mul3A_1129 : vector<128x128xi32>
    %shift_right_logical3A_1131 = arith.constant 16 : i32
    %shift_right_logical3A_1132 = vector.broadcast %shift_right_logical3A_1131 : i32 to vector<128x128xi32>
    %shift_right_logical3A_1133 = arith.shrui %mul3A_1121, %shift_right_logical3A_1132 : vector<128x128xi32>
    %add3A_1134 = arith.addi %mul3A_1127, %shift_right_logical3A_1133 : vector<128x128xi32>
    %and3A_1135 = arith.constant 65535 : i32
    %and3A_1136 = vector.broadcast %and3A_1135 : i32 to vector<128x128xi32>
    %and3A_1137 = arith.andi %add3A_1134, %and3A_1136 : vector<128x128xi32>
    %add3A_1138 = arith.addi %mul3A_1124, %and3A_1137 : vector<128x128xi32>
    %shift_right_logical3A_1139 = arith.constant 16 : i32
    %shift_right_logical3A_1140 = vector.broadcast %shift_right_logical3A_1139 : i32 to vector<128x128xi32>
    %shift_right_logical3A_1141 = arith.shrui %add3A_1134, %shift_right_logical3A_1140 : vector<128x128xi32>
    %add3A_1142 = arith.addi %mul3A_1130, %shift_right_logical3A_1141 : vector<128x128xi32>
    %shift_right_logical3A_1143 = arith.constant 16 : i32
    %shift_right_logical3A_1144 = vector.broadcast %shift_right_logical3A_1143 : i32 to vector<128x128xi32>
    %shift_right_logical3A_1145 = arith.shrui %add3A_1138, %shift_right_logical3A_1144 : vector<128x128xi32>
    %add3A_1146 = arith.addi %add3A_1142, %shift_right_logical3A_1145 : vector<128x128xi32>
    %shift_right_logical3A_1147 = arith.constant 15 : i32
    %shift_right_logical3A_1148 = vector.broadcast %shift_right_logical3A_1147 : i32 to vector<128x128xi32>
    %shift_right_logical3A_1149 = arith.shrui %add3A_1146, %shift_right_logical3A_1148 : vector<128x128xi32>
    %mul3A_1150 = arith.constant 100000 : i32
    %mul3A_1151 = vector.broadcast %mul3A_1150 : i32 to vector<128x128xi32>
    %mul3A_1152 = arith.muli %shift_right_logical3A_1149, %mul3A_1151 : vector<128x128xi32>
    %sub3A_1153 = arith.subi %add3A_1112, %mul3A_1152 : vector<128x128xi32>
    %swap3A_1154 = arith.constant 3 : index
    %swap3A_1155 = arith.constant 0 : index
    %swap3A_1156 = arith.constant 0 : index
    %swap3A_1157 = vector.load %arg2[%swap3A_1154, %swap3A_1155, %swap3A_1156] : memref<4x128x128xi32, #tpu.memory_space<vmem>>, vector<1x128x128xi32>
    %swap3A_1158 = vector.shape_cast %swap3A_1157 : vector<1x128x128xi32> to vector<128x128xi32>
    %swap3A_1159 = vector.shape_cast %sub3A_1153 : vector<128x128xi32> to vector<1x128x128xi32>
    tpu.vector_store %arg2[%swap3A_1154, %swap3A_1155, %swap3A_1156], %swap3A_1159 {strides = array<i32>} : memref<4x128x128xi32, #tpu.memory_space<vmem>>, vector<1x128x128xi32>,
    return
  }
  func.func @transform_0(%arg0: i32) -> (i32, i32) {
    %c0_i32 = arith.constant 0 : i32
    %c0_i32_0 = arith.constant 0 : i32
    return %arg0, %c0_i32 : i32, i32
  }
  func.func @transform_1(%arg0: i32) -> (i32, i32, i32) {
    %c0_i32 = arith.constant 0 : i32
    %c0_i32_0 = arith.constant 0 : i32
    %c0_i32_1 = arith.constant 0 : i32
    return %c0_i32, %arg0, %c0_i32_0 : i32, i32, i32
  }
}

</mosaic_0001>

<sc_bundles>
// kernel: kernel.4.cloned.1.call-start
scs
__scs_entry_jumppad:
0x0: {  	(pc) =	sbr.rel $0x88, $3  }
0x1: {  	(tag) =	ssettag $0x0;
	lr =	simm.s32 $0x1  }
0x2: {  	[smem:$0x3F9F] =	sst lr;
	_ =	strace $0xD0000000  }
0x3: {  	_ = 	snop  }
0x4: {  	_ = 	snop  }
0x5: {  	_ = 	snop  }
0x6: {  	_ = 	snop  }
0x7: {  	_ = 	snop  }
__scs_overlays_trampoline_lowered:
0x8: {  	[smem:$0x3FAE] =	sst s0  }
0x9: {  	[smem:$0x3FAF] =	sst s1  }
0xa: {  	[smem:$0x3FB0] =	sst s2  }
0xb: {  	[smem:$0x3FB1] =	sst s3  }
0xc: {  	[smem:$0x3FB2] =	sst s4  }
0xd: {  	[smem:$0x3FB3] =	sst s5  }
0xe: {  	[smem:$0x3FB4] =	sst s6  }
0xf: {  	[smem:$0x3FB5] =	sst s7  }
0x10: {  	[smem:$0x3FB6] =	sst s8  }
0x11: {  	[smem:$0x3FB7] =	sst s9;
	s0 =	simm.s32 @!p0 $0x0  }
0x12: {  	s1 =	sld [smem:$0x3F9D];
	s0 =	simm.s32 @p0 $0x1  }
0x13: {  	[smem:$0x3FB8] =	sst s0;
	s0 =	simm.s32 @!p1 $0x0  }
0x14: {  	s2 =	sld [smem:$0x3F9C];
	s0 =	simm.s32 @p1 $0x1  }
0x15: {  	[smem:$0x3FB9] =	sst s0;
	s0 =	simm.s32 @!p2 $0x0  }
0x16: {  	s3 =	sld [smem:$0x3FDB];
	s0 =	simm.s32 @p2 $0x1  }
0x17: {  	s4 =	simm.s32 $0x1BF5;
	[smem:$0x3FBB] =	sst s0  }
0x18: {  	s0 =	sld [smem:$0x3F9E];
	_ =	swait.ge [sflag:s4], $0x0  }
0x19: {  	s7 =	sld [smem:$0x3F9F]  }
0x1a: {  	s8 =	sadd.s32 $0xFFFFE003, lr  }
0x1b: {  	s9 =	sadd.s32 $0xFFFFFEF7, lr;
	s5 =	simm.s32 $0xFFFFFFFF;
	p2 =	slt.u32 s8, $0xFFFFF086  }
0x1c: {  	p1 =	slt.u32 s9, $0xF7A;
	s5 =	simm.s32 @!p2 $0x0  }
0x1d: {  	s5 =	simm.s32 @p1 $0x1;
	p0 =	seq.s32 s7, s2  }
0x1e: {  	s7 =	smul.u32 @!p0 $0xF7A, s2;
	p2 =	seq.s32 @!p0 s5, $0x0  }
0x1f: {  	s9 =	smul.u32 $0xF7A, s1;
	s8 =	simm.s32 @!p0 $0x1BF5;
	p2 =	por !p2, p0  }
0x20: {  	[sflag:s8] =	ssyncset.s32 @!p0 $0xFFFFF086;
	s6 =	sadd.s32 @!p0 s3, s7;
	s7 =	simm.s32 @!p0 $0x108  }
0x21: {  	s3 =	sadd.s32 s3, s9;
	s6 =	sadd.s32 @!p0 $0x88, s6;
	s7 =	simm.s32 @p2 $0x1082  }
0x22: {  	[simem:s7], [sflag:s8] =	dma.local @!p0 [hbm:s6], $0xF7A  }
0x23: {  	s9 =	sor.u32 $0xD0000000, s2;
	s6 =	simm.s32 $0x108;
	_ =	swait.ge @!p0 [sflag:s8], $0x0  }
0x24: {  	s3 =	sadd.s32 $0x88, s3;
	s6 =	simm.s32 @!p1 $0x1082;
	[sflag:s4] =	ssyncset.s32 $0xFFFFF086  }
0x25: {  	[simem:s6], [sflag:s4] =	dma.local [hbm:s3], $0xF7A  }
0x26: {  	[smem:$0x3F9F] =	sst s1;
	(tag) =	ssettag s2;
	_ =	strace s9  }
0x27: {  	s1 =	sld [smem:$0x3FAF]  }
0x28: {  	s2 =	sld [smem:$0x3FB0]  }
0x29: {  	s4 =	sld [smem:$0x3FB2]  }
0x2a: {  	p0 =	seq.s32 s5, $0x0;
	s5 =	sld [smem:$0x3FB3]  }
0x2b: {  	s6 =	sld [smem:$0x3FB4]  }
0x2c: {  	s7 =	sld [smem:$0x3FB5]  }
0x2d: {  	s3 =	simm.s32 $0x108;
	s8 =	sld [smem:$0x3FB6]  }
0x2e: {  	s3 =	simm.s32 @!p0 $0x1082;
	s9 =	sld [smem:$0x3FB7]  }
0x2f: {  	lr =	sadd.s32 s0, s3;
	s0 =	sld [smem:$0x3FAE]  }
0x30: {  	s3 =	sld [smem:$0x3FB1]  }
0x31: {  	[smem:$0x3FBA] =	sst s10  }
0x32: {  	s10 =	sld [smem:$0x3FB8];
	_ =	sdelay $0x3  }
0x33: {  	p0 =	seq.s32 s10, $0x1;
	s10 =	sld [smem:$0x3FBA];
	_ =	sdelay $0x3  }
0x34: {  	[smem:$0x3FBA] =	sst s10  }
0x35: {  	s10 =	sld [smem:$0x3FB9];
	_ =	sdelay $0x3  }
0x36: {  	p1 =	seq.s32 s10, $0x1;
	s10 =	sld [smem:$0x3FBA];
	_ =	sdelay $0x3  }
0x37: {  	[smem:$0x3FBA] =	sst s10  }
0x38: {  	s10 =	sld [smem:$0x3FBB]  }
0x39: {  	_ = 	snop;
	(pc) =	sbr.ind lr, $3  }
0x3a: {  	_ = 	snop  }
0x3b: {  	_ = 	snop  }
0x3c: {  	p2 =	seq.s32 s10, $0x1;
	s10 =	sld [smem:$0x3FBA]  }
0x3d: {  	_ =	shalt  }
0x3e: {  	_ =	shalt  }
0x3f: {  	_ =	shalt  }
0x40: {  	_ =	shalt  }
0x41: {  	_ =	shalt  }
0x42: {  	_ =	shalt  }
0x43: {  	_ =	shalt  }
0x44: {  	_ =	shalt  }
0x45: {  	_ =	shalt  }
0x46: {  	_ =	shalt  }
0x47: {  	_ =	shalt  }
0x48: {  	_ =	shalt  }
0x49: {  	_ =	shalt  }
0x4a: {  	_ =	shalt  }
0x4b: {  	_ =	shalt  }
0x4c: {  	_ =	shalt  }
0x4d: {  	_ =	shalt  }
0x4e: {  	_ =	shalt  }
0x4f: {  	_ =	shalt  }
0x50: {  	_ =	shalt  }
0x51: {  	_ =	shalt  }
0x52: {  	_ =	shalt  }
0x53: {  	_ =	shalt  }
0x54: {  	_ =	shalt  }
0x55: {  	_ =	shalt  }
0x56: {  	_ =	shalt  }
0x57: {  	_ =	shalt  }
0x58: {  	_ =	shalt  }
0x59: {  	_ =	shalt  }
0x5a: {  	_ =	shalt  }
0x5b: {  	_ =	shalt  }
0x5c: {  	_ =	shalt  }
0x5d: {  	_ =	shalt  }
0x5e: {  	_ =	shalt  }
0x5f: {  	_ =	shalt  }
0x60: {  	_ =	shalt  }
0x61: {  	_ =	shalt  }
0x62: {  	_ =	shalt  }
0x63: {  	_ =	shalt  }
0x64: {  	_ =	shalt  }
0x65: {  	_ =	shalt  }
0x66: {  	_ =	shalt  }
0x67: {  	_ =	shalt  }
0x68: {  	_ =	shalt  }
0x69: {  	_ =	shalt  }
0x6a: {  	_ =	shalt  }
0x6b: {  	_ =	shalt  }
0x6c: {  	_ =	shalt  }
0x6d: {  	_ =	shalt  }
0x6e: {  	_ =	shalt  }
0x6f: {  	_ =	shalt  }
0x70: {  	_ =	shalt  }
0x71: {  	_ =	shalt  }
0x72: {  	_ =	shalt  }
0x73: {  	_ =	shalt  }
0x74: {  	_ =	shalt  }
0x75: {  	_ =	shalt  }
0x76: {  	_ =	shalt  }
0x77: {  	_ =	shalt  }
0x78: {  	_ =	shalt  }
0x79: {  	_ =	shalt  }
0x7a: {  	_ =	shalt  }
0x7b: {  	_ =	shalt  }
0x7c: {  	_ =	shalt  }
0x7d: {  	_ =	shalt  }
0x7e: {  	_ =	shalt  }
0x7f: {  	_ =	shalt  }
0x80: {  	_ =	shalt  }
0x81: {  	_ =	shalt  }
0x82: {  	_ =	shalt  }
0x83: {  	_ =	shalt  }
0x84: {  	_ =	shalt  }
0x85: {  	_ =	shalt  }
0x86: {  	_ =	shalt  }
0x87: {  	_ =	shalt  }
.Lfunc_end0:
.L_simem_size_0:
called_computation.1_lowered:
.L_overlay_start_0:
0x88: {  	s2 =	sld [smem:$0x3FD9]  }
0x89: {  	s3 =	sld [smem:$0x3FFE];
	_ =	sdelay $0x1  }
0x8a: {  	s1 =	srdreg.scid  }
0x8b: {  	s0 =	sand.u32 $0x1, s1  }
0x8c: {  	s17 =	sshll.u32 s0, $0xA;
	s2 =	sadd.s32 s3, s2  }
0x8d: {  	s2 =	sadd.s32 s2, s17  }
0x8e: {  	[smem:$0x3FC6] =	sst s2  }
0x8f: {  	_ = 	snop  }
0x90: {  	s2 =	sld [smem:$0x3FD0];
	(tm) =	ssettm $0x1  }
0x91: {  	s18 =	sld [smem:$0x3FFB];
	_ =	sdelay $0x3  }
0x92: {  	_ =	strace s18  }
0x93: {  	s3 =	sld [smem:$0x3FFC];
	_ =	sdelay $0x3  }
0x94: {  	_ =	strace s3  }
0x95: {  	s3 =	sld [smem:$0x3FFD];
	_ =	sdelay $0x3  }
0x96: {  	_ =	strace s3  }
0x97: {  	_ =	strace $0x8FFFFFFF  }
0x98: {  	s19 =	sld [smem:$0x3FDB];
	_ =	sdelay $0x1  }
0x99: {  	s4 =	simm.s32 $_scs_section_size  }
0x9a: {  	s5 =	simm.s32 $_size__tile_overlayer_lowered;
	s6 =	simm.s32 $_tile_overlayer_lowered  }
0x9b: {  	s22 =	simm.s32 $0x1BFF;
	s21 =	sshll.u32 s6, $0x1;
	s3 =	sadd.s32 s4, s19  }
0x9c: {  	s7 =	simm.s32 $0x0;
	s20 =	sshll.u32 s5, $0x1;
	s5 =	sadd.s32 s21, s3  }
0x9d: {  	[timem:s7], [sflag:s22] =	dma.local [hbm:s5], s20  }
0x9e: {  	_ =	swait.ge [sflag:s22], s20  }
0x9f: {  	s4 =	ssub.s32 $0x0, s20;
	[sflag:s22] =	ssyncset.done $0x0  }
0xa0: {  	[sflag:s22] =	ssyncadd.s32 s4;
	_ =	sdelay $0x1  }
0xa1: {  	s23 =	simm.s32 $0x1B8B  }
0xa2: {  	_ =	swait.ge [sflag:s23], $0x1  }
0xa3: {  	[sflag:s23] =	ssyncset.done $0x0  }
0xa4: {  	s25 =	simm.s32 $0x1B8E;
	s24 =	sld [smem:$0x3FFE];
	[sflag:s23] =	ssyncadd.s32 $0xFFFFFFFF  }
0xa5: {  	s26 =	simm.s32 $execute0_lowered;
	[smem:$0x3FD2] =	sst s25  }
0xa6: {  	s5 =	sshll.u32 s26, $0x1;
	_ =	strace $0x80000046;
	[dreg:$0x1] =	wrdreg $0xFFFFFFFF  }
0xa7: {  	s28 =	simm.s32 $_size_execute0_lowered;
	s3 =	sadd.s32 s3, s5;
	[dreg:$0x0] =	wrdreg $0x0  }
0xa8: {  	s5 =	sshll.u32 s28, $0x1;
	[dreg:$0x2] =	wrdreg s3  }
0xa9: {  	[dreg:$0x3] =	wrdreg s5  }
0xaa: {  	[dreg:$0x4] =	wrdreg $0xC0  }
0xab: {  	_ =	task [dreg:s7], $0x5FFFF  }
0xac: {  	[dreg:$0x1] =	wrdreg $0xFFFFFFFF  }
0xad: {  	[dreg:$0x0] =	wrdreg $0x60  }
0xae: {  	[dreg:$0x2] =	wrdreg s24  }
0xaf: {  	[dreg:$0x3] =	wrdreg s2  }
0xb0: {  	[dreg:$0x4] =	wrdreg $0x9  }
0xb1: {  	_ =	task.clear_ibuf [dreg:s7], $0x5FFFF;
	_ =	strace $0x90000046  }
0xb2: {  	s29 =	simm.s32 $0x9;
	_ =	strace $0x80000048  }
0xb3: {  	_ =	swait.ge [sflag:s29], $0x1  }
0xb4: {  	[sflag:s29] =	ssyncadd.s32 $0xFFFFFFFF  }
0xb5: {  	_ =	strace $0x90000048  }
0xb6: {  	_ =	sfence  }
0xb7: {  	s30 =	sld [smem:$0x0];
	_ =	sdelay $0x2  }
0xb8: {  	s31 =	sshll.u32 s1, $0xD;
	s1 =	sshrl.u32 s1, $0x2  }
0xb9: {  	s3 =	sand.u32 $0x4000, s31;
	s1 =	sadd.s32 s1, s30  }
0xba: {  	s0 =	sor.u32 s3, s0;
	s1 =	sshll.u32 s1, $0x11  }
0xbb: {  	s0 =	sor.u32 s1, s0  }
0xbc: {  	s0 =	sadd.s32 $0x8F2B, s0  }
0xbd: {  	[sflag:s0] =	ssyncadd.remote.s32 $0x1  }
0xbe: {  	_ =	sfence.sel $0xFFFF  }
0xbf: {  	[dreg:$0x0] =	wrdreg $0xFFFFFFFF;
	(pc) =	sbr.abs _section_cstart, $3  }
0xc0: {  	[dreg:$0x1] =	wrdreg $0xFFFFFFFF  }
0xc1: {  	_ =	task.clear_ibuf [dreg:s7], $0x2FFFF;
	_ =	strace $0x9FFFFFFF  }
0xc2: {  	(tm) =	ssettm $0x7FFFFFFF  }
0xc3: {  	_ =	shalt  }
tec
execute0_lowered:
.L_overlay_start_1:
0x0: {  	(tag) =	ssettag $0x1  }
0x1: {  	s1 =	srdreg.scid  }
0x2: {  	s0 =	stileid.u32;
	s4 =	rddreg [dreg:$0x0]  }
0x3: {  	s2 =	rddreg [dreg:$0x1];
	s3 =	simm.s32 $0x0;
	s11 =	simm.s32 $0x3  }
0x4: {  	s12 =	simm.s32 $0x3400;
	s13 =	simm.s32 $0x6800;
	s14 =	simm.s32 $0x9C00  }
0x5: {  	s15 =	simm.s32 $0x80;
	s16 =	simm.s32 $0xD000;
	s17 =	simm.s32 $0xD800  }
0x6: {  	s18 =	simm.s32 $0xE000;
	s5 =	sand.u32 $0x1, s1;
	s31 =	sshll.u32 s0, $0x1  }
0x7: {  	s19 =	simm.s32 $0xE800;
	s20 =	simm.s32 $0x1;
	s9 =	sor.u32 s5, s31  }
0x8: {  	s21 =	simm.s32 $0x2;
	s1 =	rddreg [dreg:$0x2];
	s6 =	smul.u32 $0x3400, s9  }
0x9: {  	s22 =	simm.s32 $0x0;
	[smem:$0x7FF] =	sst s3;
	s5 =	ssub.s32 $0x2, s5  }
0xa: {  	_ =	strace $0x80000047;
	s7 =	sshrl.u32 s5, $0x1;
	s6 =	sshrl.u32 s6, $0x3  }
0xb: {  	s9 =	smul.u32 $0x68000, s9;
	s10 =	ssub.s32 s5, s7;
	s8 =	sadd.s32 s6, s4  }
0xc: {  	s10 =	smax.u32 s10, $0x1;
	s4 =	sadd.s32 $0x35600, s4;
	s5 =	sadd.s32 $0x1600, s8  }
0xd: {  	s6 =	sadd.s32 $0xE600, s8;
	s7 =	sadd.s32 $0x1B600, s8;
	s8 =	sadd.s32 $0x28600, s8  }
.LBB2_1:
0xe: {  	[tilespmem:s3], [sflag:$0x3] =	stream.linear.gather [hbm4b:s5+s3], $0x3400, $0x38;
	[tilespmem:$0x13000] =	vst v63  }
0xf: {  	_ =	swait.ge [sflag:s11], $0x3400  }
0x10: {  	[sflag:s11] =	ssyncset.done $0x0  }
0x11: {  	[sflag:s11] =	ssyncadd.s32 $0xFFFFCC00  }
0x12: {  	[tilespmem:s12], [sflag:$0x3] =	stream.linear.gather [hbm4b:s6+s3], $0x3400, $0x38;
	[tilespmem:$0x13000] =	vst v63  }
0x13: {  	_ =	swait.ge [sflag:s11], $0x3400  }
0x14: {  	[sflag:s11] =	ssyncset.done $0x0  }
0x15: {  	[sflag:s11] =	ssyncadd.s32 $0xFFFFCC00  }
0x16: {  	[tilespmem:s13], [sflag:$0x3] =	stream.linear.gather [hbm4b:s7+s3], $0x3400, $0x38;
	[tilespmem:$0x13000] =	vst v63  }
0x17: {  	_ =	swait.ge [sflag:s11], $0x3400  }
0x18: {  	[sflag:s11] =	ssyncset.done $0x0  }
0x19: {  	[sflag:s11] =	ssyncadd.s32 $0xFFFFCC00  }
0x1a: {  	[tilespmem:s14], [sflag:$0x3] =	stream.linear.gather [hbm4b:s8+s3], $0x3400, $0x38;
	[tilespmem:$0x13000] =	vst v63  }
0x1b: {  	_ =	swait.ge [sflag:s11], $0x3400  }
0x1c: {  	[sflag:s11] =	ssyncset.done $0x0  }
0x1d: {  	[sflag:s11] =	ssyncadd.s32 $0xFFFFCC00  }
0x1e: {  	[tilespmem:s16], [sflag:$0x1] =	stream.indirect.gather [hbm4b:s4+s15], $0x10, s3, s15, $0xb8;
	[tilespmem:$0x13000] =	vst v63  }
0x1f: {  	_ = 	snop  }
0x20: {  	[tilespmem:s17], [sflag:$0x1] =	stream.indirect.gather [hbm4b:s4+s15], $0x10, s12, s15, $0xb8;
	[tilespmem:$0x13000] =	vst v63  }
0x21: {  	_ = 	snop  }
0x22: {  	[tilespmem:s18], [sflag:$0x1] =	stream.indirect.gather [hbm4b:s4+s15], $0x10, s13, s15, $0xb8;
	[tilespmem:$0x13000] =	vst v63  }
0x23: {  	p0 =	por $0x0, $0x0;
	s23 =	simm.s32 $0x0  }
0x24: {  	[tilespmem:s19], [sflag:$0x1] =	stream.indirect.gather [hbm4b:s4+s15], $0x10, s14, s15, $0xb8;
	[tilespmem:$0x13000] =	vst v63  }
.LBB2_2:
0x25: {  	_ =	swait.ge [sflag:s20], $0x800  }
0x26: {  	[sflag:s20] =	ssyncset.done $0x0  }
0x27: {  	[sflag:s20] =	ssyncadd.s32 $0xFFFFF800  }
0x28: {  	_ =	swait.ge [sflag:s20], $0x800  }
0x29: {  	[sflag:s20] =	ssyncset.done $0x0  }
0x2a: {  	[sflag:s20] =	ssyncadd.s32 $0xFFFFF800  }
0x2b: {  	_ =	swait.ge [sflag:s20], $0x800  }
0x2c: {  	s26 =	sand.u32 $0x1, s23;
	p1 =	seq.s32 s23, $0x67;
	[sflag:s20] =	ssyncset.done $0x0  }
0x2d: {  	s24 =	sadd.s32 $0x1, s23;
	s25 =	sshll.u32 @!p1 s26, $0xD;
	[sflag:s20] =	ssyncadd.s32 $0xFFFFF800  }
0x2e: {  	s29 =	sshll.u32 @!p1 s24, $0x7;
	s30 =	simm.s32 @!p1 $0x80;
	_ =	swait.ge [sflag:s20], $0x800  }
0x2f: {  	p2 =	slt.u32 @!p1 s23, $0x2;
	s28 =	sxor.u32 @!p1 $0x2000, s25;
	[sflag:s20] =	ssyncset.done $0x0  }
0x30: {  	s29 =	sand.u32 @!p1 $0x3FFFFF80, s29;
	s28 =	sor.u32 @!p1 $0xD000, s28;
	[sflag:s20] =	ssyncadd.s32 $0xFFFFF800  }
0x31: {  	[tilespmem:s28], [sflag:$0x1] =	stream.indirect.gather @!p1 [hbm4b:s4+s30], $0x10, s29, s30, $0xb8;
	[tilespmem:$0x13000] =	vst v63  }
0x32: {  	p2 =	por p1, !p2;
	s31 =	sadd.s32 @!p1 $0x3400, s29;
	s28 =	sxor.u32 @!p1 $0xF800, s25  }
0x33: {  	[tilespmem:s28], [sflag:$0x1] =	stream.indirect.gather @!p1 [hbm4b:s4+s30], $0x10, s31, s30, $0xb8;
	[tilespmem:$0x13000] =	vst v63  }
.Ltmp0:
0x34: {  	_ = 	snop;
	(pc) =	sbr.rel @!p2 .LBB2_4-.Ltmp0, $4  }
0x35: {  	s28 =	ssub.s32 @!p1 $0x10000, s25;
	s31 =	sadd.s32 @!p1 $0x6800, s29  }
0x36: {  	[tilespmem:s28], [sflag:$0x1] =	stream.indirect.gather @!p1 [hbm4b:s4+s30], $0x10, s31, s30, $0xb8;
	[tilespmem:$0x13000] =	vst v63  }
0x37: {  	s29 =	sadd.s32 @!p1 $0x9C00, s29;
	s28 =	ssub.s32 @!p1 $0x10800, s25  }
0x38: {  	[tilespmem:s28], [sflag:$0x1] =	stream.indirect.gather @!p1 [hbm4b:s4+s30], $0x10, s29, s30, $0xb8;
	[tilespmem:$0x13000] =	vst v63  }
0x39: {  	_ =	swait.ge [sflag:s21], $0x1000  }
0x3a: {  	[sflag:s21] =	ssyncset.done $0x0  }
0x3b: {  	s25 =	simm.s32 @p1 $0x2000;
	[sflag:s21] =	ssyncadd.s32 $0xFFFFF000  }
.LBB2_4:
0x3c: {  	s29 =	sadd.s32 $0xE000, s25  }
0x3d: {  	v0 =	vld [tilespmem:s29+$0xFFFFF800]  }
0x3e: {  	v4 =	vld [tilespmem:s29+$0x800]  }
0x3f: {  	v6 =	vld [tilespmem:s29+$0x870]  }
0x40: {  	v12 =	vld [tilespmem:s29+$0x810]  }
0x41: {  	v22 =	vld [tilespmem:s29+$0x830]  }
0x42: {  	v23 =	vld [tilespmem:s29+$0x30]  }
0x43: {  	v1 =	vld [tilespmem:s29+$0x0]  }
0x44: {  	v13 =	vld [tilespmem:s29+$0x10]  }
0x45: {  	v24 =	vld [tilespmem:s29+$0x860]  }
0x46: {  	v18 =	vld [tilespmem:s29+$0xFFFFF830]  }
0x47: {  	v25 =	vld [tilespmem:s29+$0x820]  }
0x48: {  	v8 =	vld [tilespmem:s29+$0x70]  }
0x49: {  	v15 =	vld [tilespmem:s29+$0x840]  }
0x4a: {  	v14 =	vld [tilespmem:s29+$0xFFFFF000]  }
0x4b: {  	v9 =	vld [tilespmem:s29+$0xFFFFF010];
	v26 =	vshll.u32 v0, $0x10  }
0x4c: {  	v27 =	vld [tilespmem:s29+$0xFFFFF850];
	v7 =	vand.u32 $0xFFFF0000, v0;
	v2 =	vshll.u32 v1, $0x10;
	v0 =	vshll.u32 v4, $0x10  }
0x4d: {  	v31 =	vld [tilespmem:s29+$0xFFFFF840];
	v3 =	vand.u32 $0xFFFF0000, v1;
	v1 =	vshll.u32 v24, $0x10;
	v30 =	vshll.u32 v6, $0x10  }
0x4e: {  	v29 =	vld [tilespmem:s29+$0xFFFFF030];
	v32 =	vshll.u32 v8, $0x10;
	v5 =	vand.u32 $0xFFFF0000, v4;
	v10 =	vshll.u32 v25, $0x10  }
0x4f: {  	v17 =	vld [tilespmem:s29+$0xFFFFF020];
	v33 =	vand.u32 $0xFFFF0000, v6;
	v11 =	vshll.u32 v13, $0x10;
	v34 =	vand.u32 $0xFFFF0000, v8  }
0x50: {  	v36 =	vld [tilespmem:s29+$0xFFFFF820];
	v28 =	vshll.u32 v14, $0x10;
	v19 =	vand.u32 $0xFFFF0000, v14;
	v8 =	vshll.u32 v12, $0x10  }
0x51: {  	v20 =	vld [tilespmem:s29+$0xFFFFF060];
	v6 =	vand.u32 $0xFFFF0000, v13;
	v4 =	vand.u32 $0xFFFF0000, v12;
	v14 =	vand.u32 $0xFFFF0000, v15  }
0x52: {  	v39 =	vld [tilespmem:s29+$0xFFFFF870];
	v35 =	vshll.u32 v18, $0x10;
	v16 =	vshll.u32 v15, $0x10;
	v13 =	vand.u32 $0xFFFF0000, v27  }
0x53: {  	v47 =	vld [tilespmem:s29+$0x60];
	v37 =	vshll.u32 v9, $0x10;
	v38 =	vand.u32 $0xFFFF0000, v22;
	v21 =	vshll.u32 v31, $0x10  }
0x54: {  	v40 =	vshll.u32 v23, $0x10;
	v42 =	vand.u32 $0xFFFF0000, v17;
	v25 =	vand.u32 $0xFFFF0000, v25  }
0x55: {  	v41 =	vld [tilespmem:s29+$0xFFFFF860];
	v43 =	vshll.u32 v29, $0x10;
	v44 =	vand.u32 $0xFFFF0000, v36;
	v23 =	vand.u32 $0xFFFF0000, v23  }
0x56: {  	v29 =	vand.u32 $0xFFFF0000, v29;
	v46 =	vshll.u32 v20, $0x10;
	v20 =	vand.u32 $0xFFFF0000, v20  }
0x57: {  	v55 =	vand.u32 $0xFFFF0000, v39;
	v12 =	vadd.f32 v26, v28;
	v28 =	vshll.u32 v22, $0x10;
	v22 =	vld [tilespmem:s29+$0xFFFFF070]  }
0x58: {  	v39 =	vshll.u32 v39, $0x10;
	v57 =	vshll.u32 v47, $0x10;
	v31 =	vand.u32 $0xFFFF0000, v31  }
0x59: {  	v26 =	vand.u32 $0xFFFF0000, v18;
	v42 =	vadd.f32 v44, v42;
	v35 =	vadd.f32 v35, v43  }
0x5a: {  	v15 =	vld [tilespmem:s29+$0xFFFFF050];
	v26 =	vadd.f32 v26, v29;
	v29 =	vshll.u32 v41, $0x10;
	v41 =	vand.u32 $0xFFFF0000, v41  }
0x5b: {  	v58 =	vld [tilespmem:s29+$0xFFFFF810];
	v59 =	vand.u32 $0xFFFF0000, v47;
	v46 =	vadd.f32 v29, v46;
	v20 =	vadd.f32 v41, v20  }
0x5c: {  	v18 =	vld [tilespmem:s29+$0x50];
	v23 =	vadd.f32 v23, v26;
	v48 =	vshll.u32 v22, $0x10;
	v22 =	vand.u32 $0xFFFF0000, v22  }
0x5d: {  	v27 =	vshll.u32 v27, $0x10;
	v29 =	vld [tilespmem:s29+$0x20];
	v26 =	vadd.f32 v40, v35;
	v22 =	vadd.f32 v55, v22  }
0x5e: {  	v24 =	vand.u32 $0xFFFF0000, v24;
	v20 =	vadd.f32 v59, v20;
	v39 =	vadd.f32 v39, v48  }
0x5f: {  	v45 =	vshll.u32 v15, $0x10;
	v23 =	vadd.f32 v38, v23;
	v34 =	vadd.f32 v34, v22  }
0x60: {  	v36 =	vshll.u32 v36, $0x10;
	v61 =	vadd.f32 v27, v45;
	v22 =	vld [tilespmem:s29+$0x850];
	v32 =	vadd.f32 v32, v39  }
0x61: {  	s25 =	simm.s32 $0x1;
	v56 =	vshll.u32 v18, $0x10;
	v27 =	vadd.f32 v24, v20;
	v33 =	vadd.f32 v33, v34;
	v34 =	vld [tilespmem:s29+$0xFFFFF040]  }
0x62: {  	s25 =	simm.s32 @!p0 $0x0;
	v24 =	vshll.u32 v58, $0x10;
	v60 =	vand.u32 $0xFFFF0000, v29;
	v30 =	vadd.f32 v30, v32  }
0x63: {  	s25 =	sshll.u32 s25, $0xC;
	v20 =	vadd.f32 v57, v46;
	v62 =	vadd.f32 v60, v42;
	v63 =	vmul.f32 $2.500000000e-01, v33;
	v33 =	vld [tilespmem:s29+$0x40]  }
0x64: {  	s26 =	sshll.u32 s26, $0xC;
	s28 =	simm.s32 $0x0;
	s25 =	sadd.s32 $0x11080, s25;
	v32 =	vand.u32 $0xFFFF0000, v58;
	v35 =	vmul.f32 $2.500000000e-01, v30;
	v30 =	vadd.f32 v24, v37  }
0x65: {  	s26 =	sadd.s32 $0x11000, s26;
	s30 =	smov.u32 s25;
	v24 =	vadd.f32 v25, v62;
	v37 =	vadd.f32 v56, v61;
	s29 =	sadd.s32 $0x80, s29;
	v25 =	vand.u32 $0xFFFF0000, v22;
	[tilespmem:s25+$0x70] =	vst v63  }
.LBB2_5:
0x66: {  	v38 =	vld [tilespmem:s29+$0xFFFFF800];
	s28 =	sadd.s32 $0x8, s28;
	v19 =	vadd.f32 v7, v19;
	v28 =	vadd.f32 v28, v26;
	v7 =	vshll.u32 v34, $0x10;
	[tilespmem:s25+$0x60] =	vst v35;
	s30 =	sadd.s32 $0x100, s30  }
0x67: {  	v29 =	vshll.u32 v29, $0x10;
	v34 =	vand.u32 $0xFFFF0000, v34;
	v22 =	vshll.u32 v22, $0x10;
	v26 =	vld [tilespmem:s29+$0xFFFFF060];
	p1 =	slt.u32 s28, $0x78  }
0x68: {  	v7 =	vadd.f32 v21, v7;
	v21 =	vadd.f32 v31, v34;
	v35 =	vld [tilespmem:s29+$0x800];
	v31 =	vshll.u32 v33, $0x10  }
0x69: {  	v17 =	vshll.u32 v17, $0x10;
	v27 =	vmul.f32 $2.500000000e-01, v27;
	v22 =	vadd.f32 v22, v37;
	v34 =	vld [tilespmem:s29+$0x870]  }
0x6a: {  	v17 =	vadd.f32 v36, v17;
	v33 =	vand.u32 $0xFFFF0000, v33;
	v31 =	vadd.f32 v31, v7;
	v37 =	vld [tilespmem:s29+$0x810]  }
0x6b: {  	v9 =	vand.u32 $0xFFFF0000, v9;
	v21 =	vadd.f32 v33, v21;
	v36 =	vshll.u32 v38, $0x10;
	v39 =	vld [tilespmem:s29+$0x830];
	[tilespmem:s25+$0x50] =	vst v27  }
0x6c: {  	v17 =	vadd.f32 v29, v17;
	v22 =	vmul.f32 $2.500000000e-01, v22;
	v7 =	vand.u32 $0xFFFF0000, v38;
	v33 =	vld [tilespmem:s29+$0x30]  }
0x6d: {  	v18 =	vand.u32 $0xFFFF0000, v18;
	v9 =	vadd.f32 v32, v9;
	v16 =	vadd.f32 v16, v31;
	v29 =	vld [tilespmem:s29+$0x0]  }
0x6e: {  	v15 =	vand.u32 $0xFFFF0000, v15;
	v28 =	vmul.f32 $2.500000000e-01, v28;
	v14 =	vadd.f32 v14, v21;
	v31 =	vld [tilespmem:s29+$0x10];
	[tilespmem:s25+$0x20] =	vst v22  }
0x6f: {  	v11 =	vadd.f32 v11, v30;
	v10 =	vadd.f32 v10, v17;
	v16 =	vmul.f32 $2.500000000e-01, v16;
	v27 =	vld [tilespmem:s29+$0x860]  }
0x70: {  	v13 =	vadd.f32 v13, v15;
	v3 =	vadd.f32 v3, v19;
	v14 =	vmul.f32 $2.500000000e-01, v14;
	v30 =	vld [tilespmem:s29+$0xFFFFF830];
	[tilespmem:s25+$0xFFFFFFE0] =	vst v28  }
0x71: {  	v12 =	vadd.f32 v2, v12;
	v8 =	vadd.f32 v8, v11;
	v10 =	vmul.f32 $2.500000000e-01, v10;
	v28 =	vld [tilespmem:s29+$0x820];
	[tilespmem:s25+$0x0] =	vst v16  }
0x72: {  	v11 =	vmul.f32 $2.500000000e-01, v23;
	v13 =	vadd.f32 v18, v13;
	v5 =	vadd.f32 v5, v3;
	v15 =	vld [tilespmem:s29+$0x840];
	[tilespmem:s25+$0x10] =	vst v14  }
0x73: {  	v6 =	vadd.f32 v6, v9;
	v2 =	vshll.u32 v29, $0x10;
	v14 =	vshll.u32 v35, $0x10;
	v16 =	vld [tilespmem:s29+$0x70];
	[tilespmem:s25+$0xFFFFFFC0] =	vst v10  }
0x74: {  	v5 =	vmul.f32 $2.500000000e-01, v5;
	v3 =	vand.u32 $0xFFFF0000, v29;
	v10 =	vadd.f32 v0, v12;
	v0 =	vmovc v14;
	v9 =	vld [tilespmem:s29+$0xFFFFF010];
	[tilespmem:s25+$0xFFFFFFF0] =	vst v11  }
0x75: {  	v13 =	vadd.f32 v25, v13;
	v14 =	vmul.f32 $2.500000000e-01, v24;
	v11 =	vshll.u32 v27, $0x10;
	v12 =	vld [tilespmem:s29+$0xFFFFF000]  }
0x76: {  	v4 =	vadd.f32 v4, v6;
	v24 =	vshll.u32 v34, $0x10;
	v18 =	vmul.f32 $2.500000000e-01, v10;
	v23 =	vld [tilespmem:s29+$0xFFFFF850];
	[tilespmem:s25+$0xFFFFFF90] =	vst v5  }
0x77: {  	v6 =	vmul.f32 $2.500000000e-01, v8;
	v8 =	vmul.f32 $2.500000000e-01, v13;
	v25 =	vld [tilespmem:s29+$0xFFFFF840]  }
0x78: {  	v4 =	vmul.f32 $2.500000000e-01, v4;
	v13 =	vadd.f32 v1, v20;
	v1 =	vmovc v11;
	v22 =	vld [tilespmem:s29+$0x850];
	v32 =	vshll.u32 v16, $0x10;
	[tilespmem:s25+$0xFFFFFFD0] =	vst v14  }
0x79: {  	v34 =	vand.u32 $0xFFFF0000, v34;
	v5 =	vand.u32 $0xFFFF0000, v35;
	v10 =	vshll.u32 v28, $0x10;
	v20 =	vld [tilespmem:s29+$0x60];
	[tilespmem:s25+$0xFFFFFFA0] =	vst v6  }
0x7a: {  	v13 =	vmul.f32 $2.500000000e-01, v13;
	v11 =	vshll.u32 v31, $0x10;
	v35 =	vand.u32 $0xFFFF0000, v16;
	v29 =	vld [tilespmem:s29+$0xFFFFF030];
	[tilespmem:s25+$0x30] =	vst v8  }
0x7b: {  	v38 =	vshll.u32 v12, $0x10;
	v19 =	vand.u32 $0xFFFF0000, v12;
	v8 =	vshll.u32 v37, $0x10;
	v17 =	vld [tilespmem:s29+$0xFFFFF020];
	[tilespmem:s25+$0xFFFFFFB0] =	vst v4  }
0x7c: {  	v14 =	vand.u32 $0xFFFF0000, v15;
	v6 =	vand.u32 $0xFFFF0000, v31;
	v4 =	vand.u32 $0xFFFF0000, v37;
	v37 =	vld [tilespmem:s29+$0xFFFFF820];
	[tilespmem:s25+$0x40] =	vst v13  }
0x7d: {  	v16 =	vshll.u32 v15, $0x10;
	v31 =	vshll.u32 v30, $0x10;
	v13 =	vand.u32 $0xFFFF0000, v23;
	v15 =	vld [tilespmem:s29+$0xFFFFF050];
	[tilespmem:s25+$0xFFFFFF80] =	vst v18;
	s25 =	smov.u32 s30  }
0x7e: {  	v41 =	vand.u32 $0xFFFF0000, v39;
	v40 =	vshll.u32 v9, $0x10;
	v21 =	vshll.u32 v25, $0x10;
	v42 =	vld [tilespmem:s29+$0xFFFFF870]  }
0x7f: {  	v30 =	vand.u32 $0xFFFF0000, v30;
	v12 =	vadd.f32 v36, v38;
	v36 =	vshll.u32 v33, $0x10;
	v38 =	vld [tilespmem:s29+$0xFFFFF860]  }
0x80: {  	v44 =	vand.u32 $0xFFFF0000, v28;
	v45 =	vshll.u32 v29, $0x10;
	v43 =	vand.u32 $0xFFFF0000, v17;
	v18 =	vld [tilespmem:s29+$0x50]  }
0x81: {  	v28 =	vshll.u32 v39, $0x10;
	v33 =	vand.u32 $0xFFFF0000, v33;
	v46 =	vand.u32 $0xFFFF0000, v37;
	v39 =	vld [tilespmem:s29+$0xFFFFF070]  }
0x82: {  	v48 =	vshll.u32 v26, $0x10;
	v29 =	vand.u32 $0xFFFF0000, v29;
	v47 =	vshll.u32 v15, $0x10  }
0x83: {  	v26 =	vand.u32 $0xFFFF0000, v26;
	v43 =	vadd.f32 v46, v43;
	v46 =	vand.u32 $0xFFFF0000, v42  }
0x84: {  	v31 =	vadd.f32 v31, v45;
	v30 =	vadd.f32 v30, v29;
	v29 =	vshll.u32 v38, $0x10  }
0x85: {  	v38 =	vand.u32 $0xFFFF0000, v38;
	v45 =	vshll.u32 v18, $0x10;
	v48 =	vadd.f32 v29, v48  }
0x86: {  	v30 =	vadd.f32 v33, v30;
	v29 =	vld [tilespmem:s29+$0x20];
	v33 =	vshll.u32 v39, $0x10;
	v39 =	vand.u32 $0xFFFF0000, v39  }
0x87: {  	v42 =	vshll.u32 v42, $0x10;
	v38 =	vadd.f32 v38, v26;
	v39 =	vadd.f32 v46, v39  }
0x88: {  	v26 =	vadd.f32 v36, v31;
	v36 =	vshll.u32 v20, $0x10;
	v33 =	vadd.f32 v42, v33  }
0x89: {  	v31 =	vand.u32 $0xFFFF0000, v25;
	v20 =	vand.u32 $0xFFFF0000, v20;
	v42 =	vld [tilespmem:s29+$0xFFFFF810];
	v25 =	vadd.f32 v35, v39  }
0x8a: {  	v20 =	vadd.f32 v20, v38;
	v35 =	vshll.u32 v23, $0x10;
	v32 =	vadd.f32 v32, v33  }
0x8b: {  	v23 =	vadd.f32 v41, v30;
	v33 =	vand.u32 $0xFFFF0000, v29;
	v25 =	vadd.f32 v34, v25  }
.Ltmp1:
0x8c: {  	v27 =	vand.u32 $0xFFFF0000, v27;
	v38 =	vadd.f32 v35, v47;
	v24 =	vadd.f32 v24, v32;
	v34 =	vld [tilespmem:s29+$0xFFFFF040];
	(pc) =	sbr.rel @p1 .LBB2_5-.Ltmp1, $4  }
0x8d: {  	v27 =	vadd.f32 v27, v20;
	v32 =	vadd.f32 v33, v43;
	v39 =	vmul.f32 $2.500000000e-01, v25  }
0x8e: {  	v20 =	vadd.f32 v36, v48;
	v35 =	vmul.f32 $2.500000000e-01, v24;
	v25 =	vshll.u32 v42, $0x10;
	v33 =	vld [tilespmem:s29+$0x40]  }
0x8f: {  	v24 =	vadd.f32 v44, v32;
	v30 =	vadd.f32 v25, v40;
	v25 =	vand.u32 $0xFFFF0000, v22;
	[tilespmem:s30+$0x70] =	vst v39  }
0x90: {  	v36 =	vshll.u32 v37, $0x10;
	v37 =	vadd.f32 v45, v38;
	v32 =	vand.u32 $0xFFFF0000, v42;
	s29 =	sadd.s32 $0x80, s29  }
0x91: {  	v7 =	vadd.f32 v7, v19  }
0x92: {  	v50 =	vadd.f32 v28, v26;
	v51 =	vshll.u32 v34, $0x10;
	v52 =	vshll.u32 v29, $0x10  }
0x93: {  	v53 =	vand.u32 $0xFFFF0000, v34;
	v22 =	vshll.u32 v22, $0x10;
	v17 =	vshll.u32 v17, $0x10  }
0x94: {  	v27 =	vmul.f32 $2.500000000e-01, v27;
	v9 =	vand.u32 $0xFFFF0000, v9;
	v11 =	vadd.f32 v11, v30  }
0x95: {  	v15 =	vand.u32 $0xFFFF0000, v15;
	v2 =	vadd.f32 v2, v12;
	v1 =	vadd.f32 v1, v20  }
0x96: {  	v57 =	vand.u32 $0xFFFF0000, v18;
	v21 =	vadd.f32 v21, v51;
	v54 =	vadd.f32 v31, v53  }
0x97: {  	[tilespmem:s25+$0x60] =	vst v35;
	v58 =	vmul.f32 $2.500000000e-01, v23;
	v22 =	vadd.f32 v22, v37;
	v17 =	vadd.f32 v36, v17  }
0x98: {  	v59 =	vmul.f32 $2.500000000e-01, v24;
	v9 =	vadd.f32 v32, v9;
	v13 =	vadd.f32 v13, v15;
	[tilespmem:s25+$0x50] =	vst v27  }
0x99: {  	v55 =	vshll.u32 v33, $0x10;
	v56 =	vand.u32 $0xFFFF0000, v33;
	v19 =	vmul.f32 $2.500000000e-01, v50;
	[tilespmem:s25+$0xFFFFFFF0] =	vst v58  }
0x9a: {  	v3 =	vadd.f32 v3, v7;
	v8 =	vadd.f32 v8, v11;
	[tilespmem:s25+$0xFFFFFFD0] =	vst v59;
	v1 =	vmul.f32 $2.500000000e-01, v1  }
0x9b: {  	v0 =	vadd.f32 v0, v2;
	v21 =	vadd.f32 v55, v21;
	v22 =	vmul.f32 $2.500000000e-01, v22;
	[tilespmem:s25+$0xFFFFFFE0] =	vst v19  }
0x9c: {  	v26 =	vadd.f32 v56, v54;
	v3 =	vadd.f32 v5, v3;
	v61 =	vmul.f32 $2.500000000e-01, v8;
	[tilespmem:s25+$0x40] =	vst v1  }
0x9d: {  	v17 =	vadd.f32 v52, v17;
	v0 =	vmul.f32 $2.500000000e-01, v0;
	v16 =	vadd.f32 v16, v21;
	[tilespmem:s25+$0x20] =	vst v22  }
0x9e: {  	v7 =	vadd.f32 v57, v13;
	v14 =	vadd.f32 v14, v26;
	v3 =	vmul.f32 $2.500000000e-01, v3;
	[tilespmem:s25+$0xFFFFFFA0] =	vst v61  }
0x9f: {  	v6 =	vadd.f32 v6, v9;
	v10 =	vadd.f32 v10, v17;
	[tilespmem:s25+$0xFFFFFF80] =	vst v0;
	v16 =	vmul.f32 $2.500000000e-01, v16  }
0xa0: {  	v7 =	vadd.f32 v25, v7;
	v14 =	vmul.f32 $2.500000000e-01, v14;
	[tilespmem:s25+$0xFFFFFF90] =	vst v3  }
0xa1: {  	v60 =	vadd.f32 v4, v6;
	v10 =	vmul.f32 $2.500000000e-01, v10;
	[tilespmem:s25+$0x0] =	vst v16  }
0xa2: {  	s23 =	sshll.u32 s23, $0xC;
	p1 =	sne.s32 s24, $0x68;
	v62 =	vmul.f32 $2.500000000e-01, v7;
	[tilespmem:s25+$0x10] =	vst v14  }
.Ltmp2:
0xa3: {  	s23 =	sadd.s32 s9, s23;
	v63 =	vmul.f32 $2.500000000e-01, v60;
	[tilespmem:s25+$0xFFFFFFC0] =	vst v10;
	(pc) =	sbr.rel @p1 .LBB2_2-.Ltmp2, $4  }
0xa4: {  	s23 =	sshrl.u32 s23, $0x3;
	[tilespmem:s25+$0x30] =	vst v62  }
0xa5: {  	s23 =	sadd.s32 s2, s23;
	[tilespmem:s25+$0xFFFFFFB0] =	vst v63  }
0xa6: {  	[hbm4b:s23+s3] =	stream.linear.scatter [tilespmem:s26], [sflag:$0x2], $0x1000, $0x38;
	[tilespmem:$0x13000] =	vst v63  }
0xa7: {  	p0 =	por !p0, !p0;
	s23 =	smov.u32 s24  }
0xa8: {  	s22 =	sadd.s32 $0x1, s22  }
0xa9: {  	_ =	swait.ge [sflag:s21], $0x1000;
	p0 =	sne.s32 s22, s10  }
.Ltmp3:
0xaa: {  	[sflag:s21] =	ssyncset.done $0x0;
	(pc) =	sbr.rel @p0 .LBB2_1-.Ltmp3, $4  }
0xab: {  	[sflag:s21] =	ssyncadd.s32 $0xFFFFF000  }
0xac: {  	_ =	swait.ge [sflag:s21], $0x1000  }
0xad: {  	[sflag:s21] =	ssyncset.done $0x0  }
0xae: {  	[sflag:s21] =	ssyncadd.s32 $0xFFFFF000  }
0xaf: {  	_ =	sfence.sel $0x180000  }
0xb0: {  	[bflag:$0x0] =	sbarrier.arrive $0xFFFF  }
0xb1: {  	p0 =	sne.s32 s0, $0x0;
	_ =	strace $0x90000047  }
0xb2: {  	s0 =	sadd.s32 @!p0 $0x100000, s1;
	[bflag:$0x2] =	sbarrier.arrive $0xFFFF  }
0xb3: {  	[sflag:s0] =	ssyncadd.tile.s32 @!p0 $0x1;
	_ =	shalt  }
.Lfunc_end2:
_tile_overlayer_lowered:
.L_overlay_start_2:
0xb4: {  	(tag) =	ssettag $0x2  }
0xb5: {  	s0 =	rddreg [dreg:$0x0];
	s2 =	stileid.u32  }
0xb6: {  	s1 =	rddreg [dreg:$0x1];
	p0 =	sne.s32 s2, $0x0  }
0xb7: {  	s3 =	rddreg [dreg:$0x2];
	[bflag:$0x3] =	sbarrier.arrive $0xFFFF;
	s2 =	simm.s32 @!p0 $0x1C03  }
0xb8: {  	[timem:s3], [sflag:s2] =	dma.local @!p0 [hbm:s0], s1  }
0xb9: {  	s0 =	simm.s32 @!p0 $0x3  }
0xba: {  	_ =	swait.ge @!p0 [sflag:s0], s1  }
0xbb: {  	s1 =	ssub.s32 @!p0 $0x0, s1;
	[sflag:s0] =	ssyncset.done @!p0 $0x0  }
0xbc: {  	[sflag:s0] =	ssyncadd.s32 @!p0 s1  }
0xbd: {  	[bflag:$0x3] =	sbarrier.arrive $0xFFFF  }
0xbe: {  	_ =	shalt  }

// kernel: sparse-core-data-format-call.cloned.1.call-start
scs
called_computation_lowered:
.L_overlay_start_0:
0x0: {  	s2 =	sld [smem:$0x3FD9]  }
0x1: {  	s3 =	sld [smem:$0x3FFE];
	_ =	sdelay $0x1  }
0x2: {  	s1 =	srdreg.scid  }
0x3: {  	s0 =	sand.u32 $0x1, s1  }
0x4: {  	s18 =	sshll.u32 s0, $0xA;
	s2 =	sadd.s32 s3, s2  }
0x5: {  	s2 =	sadd.s32 s2, s18  }
0x6: {  	[smem:$0x3FC6] =	sst s2  }
0x7: {  	_ = 	snop  }
0x8: {  	s2 =	sld [smem:$0x3FD0];
	(tm) =	ssettm $0x1  }
0x9: {  	s19 =	sld [smem:$0x3FFB];
	_ =	sdelay $0x3  }
0xa: {  	_ =	strace s19  }
0xb: {  	s3 =	sld [smem:$0x3FFC];
	_ =	sdelay $0x3  }
0xc: {  	_ =	strace s3  }
0xd: {  	s3 =	sld [smem:$0x3FFD];
	_ =	sdelay $0x3  }
0xe: {  	_ =	strace s3  }
0xf: {  	_ =	strace $0x8FFFFFFF  }
0x10: {  	s20 =	sld [smem:$0x3FDB];
	_ =	sdelay $0x1  }
0x11: {  	s4 =	simm.s32 $_scs_section_size  }
0x12: {  	s5 =	simm.s32 $_size__tile_overlayer_lowered;
	s6 =	simm.s32 $_tile_overlayer_lowered  }
0x13: {  	s23 =	simm.s32 $0x1BFF;
	s22 =	sshll.u32 s6, $0x1;
	s3 =	sadd.s32 s4, s20  }
0x14: {  	s7 =	simm.s32 $0x0;
	s21 =	sshll.u32 s5, $0x1;
	s5 =	sadd.s32 s22, s3  }
0x15: {  	[timem:s7], [sflag:s23] =	dma.local [hbm:s5], s21  }
0x16: {  	_ =	swait.ge [sflag:s23], s21  }
0x17: {  	s4 =	ssub.s32 $0x0, s21;
	[sflag:s23] =	ssyncset.done $0x0  }
0x18: {  	[sflag:s23] =	ssyncadd.s32 s4;
	_ =	sdelay $0x1  }
0x19: {  	s24 =	simm.s32 $0x1B8B  }
0x1a: {  	_ =	swait.ge [sflag:s24], $0x1  }
0x1b: {  	[sflag:s24] =	ssyncset.done $0x0  }
0x1c: {  	s26 =	simm.s32 $0x1B8E;
	s25 =	sld [smem:$0x3FFE];
	[sflag:s24] =	ssyncadd.s32 $0xFFFFFFFF  }
0x1d: {  	s27 =	simm.s32 $execute0_lowered;
	[smem:$0x3FD2] =	sst s26  }
0x1e: {  	s5 =	sshll.u32 s27, $0x1;
	_ =	strace $0x80000049;
	[dreg:$0x1] =	wrdreg $0xFFFFFFFF  }
0x1f: {  	s28 =	simm.s32 $_size_execute0_lowered;
	s3 =	sadd.s32 s3, s5;
	[dreg:$0x0] =	wrdreg $0x0  }
0x20: {  	s5 =	sshll.u32 s28, $0x1;
	[dreg:$0x2] =	wrdreg s3  }
0x21: {  	[dreg:$0x3] =	wrdreg s5  }
0x22: {  	[dreg:$0x4] =	wrdreg $0xC0  }
0x23: {  	_ =	task [dreg:s7], $0x5FFFF  }
0x24: {  	[dreg:$0x1] =	wrdreg $0xFFFFFFFF  }
0x25: {  	[dreg:$0x0] =	wrdreg $0x60  }
0x26: {  	[dreg:$0x2] =	wrdreg s25  }
0x27: {  	[dreg:$0x3] =	wrdreg s2  }
0x28: {  	[dreg:$0x4] =	wrdreg $0x9  }
0x29: {  	_ =	task.clear_ibuf [dreg:s7], $0x5FFFF;
	_ =	strace $0x90000049  }
0x2a: {  	s29 =	simm.s32 $0x9;
	_ =	strace $0x8000004B  }
0x2b: {  	_ =	swait.ge [sflag:s29], $0x1  }
0x2c: {  	[sflag:s29] =	ssyncadd.s32 $0xFFFFFFFF  }
0x2d: {  	_ =	strace $0x9000004B  }
0x2e: {  	_ =	sfence  }
0x2f: {  	s30 =	sld [smem:$0x0];
	_ =	sdelay $0x2  }
0x30: {  	s31 =	sshll.u32 s1, $0xD;
	s1 =	sshrl.u32 s1, $0x2  }
0x31: {  	s3 =	sand.u32 $0x4000, s31;
	s1 =	sadd.s32 s1, s30  }
0x32: {  	s0 =	sor.u32 s3, s0;
	s1 =	sshll.u32 s1, $0x11  }
0x33: {  	s0 =	sor.u32 s1, s0  }
0x34: {  	s0 =	sadd.s32 $0x8F2B, s0  }
0x35: {  	[sflag:s0] =	ssyncadd.remote.s32 $0x1  }
0x36: {  	_ =	sfence.sel $0xFFFF  }
0x37: {  	[dreg:$0x0] =	wrdreg $0xFFFFFFFF;
	(pc) =	sbr.abs _section_cstart, $3  }
0x38: {  	[dreg:$0x1] =	wrdreg $0xFFFFFFFF  }
0x39: {  	_ =	task.clear_ibuf [dreg:s7], $0x2FFFF;
	_ =	strace $0x9FFFFFFF  }
0x3a: {  	(tm) =	ssettm $0x7FFFFFFF  }
0x3b: {  	_ =	shalt  }
tec
execute0_lowered:
.L_overlay_start_1:
0x0: {  	(tag) =	ssettag $0x1  }
0x1: {  	s0 =	srdreg.scid  }
0x2: {  	s1 =	sshll.u32 s0, $0x4  }
0x3: {  	s0 =	stileid.u32;
	s1 =	sand.u32 $0x10, s1  }
0x4: {  	s1 =	sor.u32 s0, s1  }
0x5: {  	s6 =	rddreg [dreg:$0x0];
	s4 =	simm.s32 $0x1;
	s2 =	sshll.u32 s1, $0x7  }
0x6: {  	s7 =	simm.s32 $0x2;
	s12 =	simm.s32 $0x0;
	s1 =	ssub.s32 $0x4000, s2  }
0x7: {  	s8 =	simm.s32 $0x20000;
	s13 =	simm.s32 $0x0;
	s3 =	sand.u32 $0xF80, s1  }
0x8: {  	s9 =	simm.s32 $0x0;
	s5 =	sshrl.u32 s1, $0xC;
	p0 =	sne.s32 s3, $0x0  }
.Ltmp0:
0x9: {  	s1 =	rddreg [dreg:$0x2];
	s4 =	simm.s32 @!p0 $0x0;
	(pc) =	sbr.rel .LBB1_1-.Ltmp0, $4  }
0xa: {  	s11 =	simm.s32 $0x0;
	s3 =	rddreg [dreg:$0x1];
	s5 =	sadd.s32 s4, s5  }
0xb: {  	_ =	strace $0x8000004A;
	s4 =	simm.s32 $0x1;
	s5 =	smul.u32 $0x1A, s5  }
0xc: {  	s6 =	sadd.s32 $0x1600, s6;
	s10 =	smov.u32 s2;
	[sflag:s4] =	ssyncpa.u1 $0x0  }
0xd: {  	p0 =	por $0x0, $0x0;
	[sflag:s7] =	ssyncpa.u1 $0x0;
	s7 =	sor.u32 $0x1, s5  }
.LBB1_4:
0xe: {  	s16 =	sshll.u32 s13, $0x3;
	s17 =	sand.u32 $0x78, s13  }
0xf: {  	s30 =	sand.u32 $0xF800, s13;
	s12 =	sshll.u32 s12, $0x10;
	s16 =	sand.u32 $0x3C00, s16  }
0x10: {  	s31 =	sand.u32 $0x7, s13;
	s16 =	sor.u32 s17, s16;
	s17 =	sadd.s32 s3, s30  }
0x11: {  	s13 =	sshll.u32 s31, $0x12;
	s16 =	sshrl.u32 s16, $0x3;
	s12 =	sadd.s32 s12, s17  }
0x12: {  	[tilespmem:s15+$0x0 ss:$0x81] =	vst.msk $0xffff, v0;
	s13 =	sor.u32 $0x400, s13;
	s12 =	sadd.s32 s16, s12  }
0x13: {  	[hbm4b:s12+s13] =	stream.strided.scatter [tilespmem:s14], [sflag:$0x2], $0x1000, s8, s13, $0x20;
	[tilespmem:$0x4040] =	vst v63  }
.LBB1_5:
0x14: {  	s14 =	sadd.s32 $0x1, s9  }
0x15: {  	s12 =	sadd.s32 $0x1000, s10;
	s16 =	smov.u32 s10;
	p2 =	sgt.s32 s14, $0x19  }
0x16: {  	s16 =	smov.u32 @p2 s12  }
0x17: {  	s14 =	simm.s32 @p2 $0x0;
	p2 =	sgt.s32 s16, $0x3FFF  }
0x18: {  	s16 =	smov.u32 @p2 s2;
	p2 =	sne.s32 s11, s7  }
.Ltmp1:
0x19: {  	p1 =	slt.u32 s11, $0x2;
	(pc) =	sbr.rel @!p2 .LBB1_6-.Ltmp1, $4  }
0x1a: {  	s15 =	simm.s32 @!p1 $0x2  }
0x1b: {  	s13 =	smov.u32 s10;
	p0 =	por !p0, !p0;
	_ =	swait.ge @!p1 [sflag:s15], $0x1000  }
0x1c: {  	s12 =	smov.u32 s9;
	[sflag:s15] =	ssyncset.done @!p1 $0x0;
	s9 =	smov.u32 s14  }
0x1d: {  	s11 =	sadd.s32 $0x1, s11;
	[sflag:s15] =	ssyncadd.s32 @!p1 $0xFFFFF000;
	s10 =	smov.u32 s16  }
.LBB1_1:
0x1e: {  	p1 =	sge.u32 s11, s5  }
0x1f: {  	s31 =	sadd.s32 $0xFFFFFFFF, s11;
	s14 =	sxor.u32 @!p1 $0xFFFFFFFF, s11  }
0x20: {  	s15 =	sshll.u32 @!p1 s10, $0x9;
	s16 =	sshll.u32 @!p1 s9, $0x4;
	s17 =	simm.s32 @!p1 $0x1000  }
0x21: {  	s14 =	sshll.u32 @!p1 s14, $0xC;
	s16 =	sand.u32 @!p1 $0x1F0, s16;
	s15 =	sadd.s32 @!p1 s6, s15  }
0x22: {  	s14 =	sand.u32 @!p1 $0x1000, s14;
	s15 =	sadd.s32 @!p1 s16, s15;
	s16 =	simm.s32 @!p1 $0x20  }
0x23: {  	[tilespmem:s14], [sflag:$0x1] =	stream.strided.gather @!p1 [hbm4b:s15+s16], $0x1000, s17, s16, $0x38;
	[tilespmem:$0x4040] =	vst v63  }
0x24: {  	p1 =	sge.u32 s31, s5  }
.Ltmp2:
0x25: {  	_ = 	snop;
	(pc) =	sbr.rel @p1 .LBB1_5-.Ltmp2, $1  }
0x26: {  	_ =	sdelay $0x3  }
0x27: {  	s14 =	simm.s32 $0x1  }
0x28: {  	_ =	swait.ge [sflag:s4], $0x1000;
	s14 =	simm.s32 @!p0 $0x0  }
0x29: {  	[sflag:s4] =	ssyncset.done $0x0;
	s15 =	sshll.u32 s14, $0xC  }
0x2a: {  	[sflag:s4] =	ssyncadd.s32 $0xFFFFF000;
	s18 =	sor.u32 $0x10, s15  }
0x2b: {  	s14 =	smul.u32 $0x4080, s14;
	v1 =	vld [tilespmem:s18+$0x0]  }
0x2c: {  	s30 =	sand.u32 $0x1, s11;
	v0 =	vld [tilespmem:s18+$0xFFFFFFF0]  }
0x2d: {  	s15 =	smul.u32 $0x4080, s30;
	s14 =	sshrl.u32 s14, $0x2  }
0x2e: {  	s16 =	sor.u32 $0x2000, s14  }
0x2f: {  	s31 =	sshrl.u32 s15, $0x2;
	s15 =	sadd.s32 $0x0, s16  }
0x30: {  	s17 =	simm.s32 $0x4;
	s18 =	sadd.s32 $0x20, s18;
	s14 =	sor.u32 $0x2000, s31;
	[tilespmem:s15+$0x810 ss:$0x81] =	vst.msk $0xffff, v1  }
.LBB1_3:
0x31: {  	v1 =	vld [tilespmem:s18+$0x0];
	p1 =	sne.s32 s17, $0x1FC;
	[tilespmem:s15+$0x0 ss:$0x81] =	vst.msk $0xffff, v0;
	s15 =	smov.u32 s17;
	s17 =	sadd.s32 $0x4, s17  }
.Ltmp3:
0x32: {  	v0 =	vld [tilespmem:s18+$0xFFFFFFF0];
	(pc) =	sbr.rel @p1 .LBB1_3-.Ltmp3, $4  }
0x33: {  	_ = 	snop  }
0x34: {  	s15 =	sshra.s32 s15, $0x2  }
0x35: {  	s15 =	sadd.s32 s15, s16  }
0x36: {  	s18 =	sadd.s32 $0x20, s18;
	[tilespmem:s15+$0x810 ss:$0x81] =	vst.msk $0xffff, v1  }
.Ltmp4:
0x37: {  	_ = 	snop;
	(pc) =	sbr.rel .LBB1_4-.Ltmp4, $1  }
0x38: {  	_ =	sdelay $0x3  }
.LBB1_6:
0x39: {  	_ =	sfence.sel $0x180000  }
0x3a: {  	s2 =	simm.s32 $0x1;
	[bflag:$0x0] =	sbarrier.arrive $0xFFFF  }
0x3b: {  	s31 =	simm.s32 $0x2;
	[sflag:s2] =	ssyncpa.u1 $0x1  }
0x3c: {  	[sflag:s31] =	ssyncpa.u1 $0x1  }
0x3d: {  	p0 =	sne.s32 s0, $0x0;
	_ =	strace $0x9000004A  }
0x3e: {  	s0 =	sadd.s32 @!p0 $0x100000, s1;
	[bflag:$0x2] =	sbarrier.arrive $0xFFFF  }
0x3f: {  	[sflag:s0] =	ssyncadd.tile.s32 @!p0 $0x1;
	_ =	shalt  }
.Lfunc_end1:
_tile_overlayer_lowered:
.L_overlay_start_2:
0x40: {  	(tag) =	ssettag $0x2  }
0x41: {  	s0 =	rddreg [dreg:$0x0];
	s2 =	stileid.u32  }
0x42: {  	s1 =	rddreg [dreg:$0x1];
	p0 =	sne.s32 s2, $0x0  }
0x43: {  	s3 =	rddreg [dreg:$0x2];
	[bflag:$0x3] =	sbarrier.arrive $0xFFFF;
	s2 =	simm.s32 @!p0 $0x1C01  }
0x44: {  	[timem:s3], [sflag:s2] =	dma.local @!p0 [hbm:s0], s1  }
0x45: {  	s0 =	simm.s32 @!p0 $0x1  }
0x46: {  	_ =	swait.ge @!p0 [sflag:s0], s1  }
0x47: {  	s1 =	ssub.s32 @!p0 $0x0, s1;
	[sflag:s0] =	ssyncset.done @!p0 $0x0  }
0x48: {  	[sflag:s0] =	ssyncadd.s32 @!p0 s1  }
0x49: {  	[bflag:$0x3] =	sbarrier.arrive $0xFFFF  }
0x4a: {  	_ =	shalt  }

</sc_bundles>
